<compile_context>
chip_gen: v7x
topology: tpu7x:2x2x1
jax: 0.10.2.dev20260603
libtpu: 0.0.44.dev20260713+nightly
codegen_flags: <defaults>
</compile_context>

<pallas_src>
import jax
import jax.numpy as jnp
from jax import lax
from jax.experimental import pallas as pl
from jax.experimental.pallas import tpu as pltpu
from jax.experimental.pallas import tpu_sc as plsc

N = 10000
E = 320000
D = 128

NC = 2
NS = 16
NW = NC * NS
EPW = E // NW
CHUNK = 40
ITERS = EPW // CHUNK
NPAD = 10240
ROWS_PER_TILE = NPAD // NS
LAST_TILE_ROWS = N - (NS - 1) * ROWS_PER_TILE


NBUF = 7


def _sc_agg_body(x_hbm, edge_hbm, parts_hbm, agg_sh, sidx_all,
                 didx0, didx1, didx2, didx3, didx4, didx5, didx6,
                 rows0, rows1, rows2, rows3, rows4, rows5, rows6,
                 semg0, semg1, semg2, semg3, semg4, semg5, semg6,
                 semi0, semi1, semi2, semi3, semi4, semi5, semi6):
    didxs = (didx0, didx1, didx2, didx3, didx4, didx5, didx6)
    rows = (rows0, rows1, rows2, rows3, rows4, rows5, rows6)
    semgs = (semg0, semg1, semg2, semg3, semg4, semg5, semg6)
    semis = (semi0, semi1, semi2, semi3, semi4, semi5, semi6)
    c = lax.axis_index("c")
    s = lax.axis_index("s")
    w = c * NS + s
    rbase = s * ROWS_PER_TILE

    @pl.when(s < NS - 1)
    def _init_full():
        pltpu.sync_copy(x_hbm.at[pl.ds(rbase, ROWS_PER_TILE)],
                        agg_sh.at[pl.ds(rbase, ROWS_PER_TILE)])

    @pl.when(s == NS - 1)
    def _init_last():
        pltpu.sync_copy(x_hbm.at[pl.ds((NS - 1) * ROWS_PER_TILE,
                                       LAST_TILE_ROWS)],
                        agg_sh.at[pl.ds((NS - 1) * ROWS_PER_TILE,
                                        LAST_TILE_ROWS)])

    tile_base = w * EPW
    pltpu.sync_copy(edge_hbm.at[pl.ds(pl.multiple_of(tile_base, 8), EPW)],
                    sidx_all)
    plsc.subcore_barrier()

    def didx_load(i, dbuf, sem):
        ebase = pl.multiple_of(tile_base + i * CHUNK, 8)
        return pltpu.make_async_copy(edge_hbm.at[pl.ds(E + ebase, CHUNK)],
                                     dbuf, sem)

    def gather(i, buf, sem):
        sl = sidx_all.at[pl.ds(i * CHUNK, CHUNK)]
        return pltpu.make_async_copy(x_hbm.at[sl], buf, sem)

    def scatter(dbuf, buf):
        pltpu.sync_copy(buf, agg_sh.at[dbuf], add=True)

    for q in range(NBUF):
        didx_load(q, didxs[q], semis[q]).start()
        gather(q, rows[q], semgs[q]).start()

    def quad(p, carry):
        i0 = NBUF * p
        for q in range(NBUF):
            i = i0 + q
            gather(i, rows[q], semgs[q]).wait()
            didx_load(i, didxs[q], semis[q]).wait()
            scatter(didxs[q], rows[q])
            nxt = jnp.minimum(i + NBUF, ITERS - 1)
            gather(nxt, rows[q], semgs[q]).start()
            didx_load(nxt, didxs[q], semis[q]).start()
        return carry

    lax.fori_loop(0, (ITERS - 1) // NBUF, quad, 0)
    done = ((ITERS - 1) // NBUF) * NBUF
    for q in range(NBUF):
        i = min(done + q, ITERS - 1)
        gather(i, rows[q], semgs[q]).wait()
        didx_load(i, didxs[q], semis[q]).wait()
        if done + q < ITERS:
            scatter(didxs[q], rows[q])

    plsc.subcore_barrier()

    @pl.when(s < NS - 1)
    def _exp_full():
        pltpu.sync_copy(agg_sh.at[pl.ds(rbase, ROWS_PER_TILE)],
                        parts_hbm.at[c, pl.ds(rbase, ROWS_PER_TILE)])

    @pl.when(s == NS - 1)
    def _exp_last():
        pltpu.sync_copy(agg_sh.at[pl.ds((NS - 1) * ROWS_PER_TILE,
                                        LAST_TILE_ROWS)],
                        parts_hbm.at[c, pl.ds((NS - 1) * ROWS_PER_TILE,
                                              LAST_TILE_ROWS)])


_sc_agg_cache = []


def _sc_agg(*args):
    if not _sc_agg_cache:
        _sc_agg_cache.append(pl.kernel(
            _sc_agg_body,
            out_type=jax.ShapeDtypeStruct((NC, NPAD, D), jnp.float32),
            mesh=plsc.VectorSubcoreMesh(core_axis_name="c",
                                        subcore_axis_name="s",
                                        num_cores=NC, num_subcores=NS),
            scratch_types=[
                pltpu.VMEM_SHARED((NPAD, D), jnp.float32),
                pltpu.VMEM((EPW,), jnp.int32),
            ] + [pltpu.VMEM((CHUNK,), jnp.int32)] * 7
              + [pltpu.VMEM((CHUNK, D), jnp.float32)] * 7
              + [pltpu.SemaphoreType.DMA] * 14,
        ))
    return _sc_agg_cache[0](*args)


BLK = 2000
NB = N // BLK


def _tc_mlp_bn_body(parts, x, W1, W2, b1, b2, gamma, beta, y, h_s, stat_s):
    p = pl.program_id(0)
    j = pl.program_id(1)

    @pl.when(p == 0)
    def _phase0():
        hin = parts[0] + parts[1] - x[...]
        m = jnp.dot(hin, W1[...], preferred_element_type=jnp.float32)
        m = jnp.maximum(m + b1[...], 0.0)
        h = jnp.dot(m, W2[...], preferred_element_type=jnp.float32)
        h = jnp.maximum(h + b2[...], 0.0)
        h_s[pl.ds(j * BLK, BLK), :] = h
        bs = jnp.sum(h, axis=0, keepdims=True)
        bq = jnp.sum(h * h, axis=0, keepdims=True)

        @pl.when(j == 0)
        def _init():
            stat_s[0:1, :] = bs
            stat_s[1:2, :] = bq

        @pl.when(j > 0)
        def _acc():
            stat_s[0:1, :] += bs
            stat_s[1:2, :] += bq

        y[...] = h

    @pl.when(p == 1)
    def _phase1():
        mean = stat_s[0:1, :] * (1.0 / N)
        var = stat_s[1:2, :] * (1.0 / N) - mean * mean
        rstd = lax.rsqrt(var + 1e-5)
        h = h_s[pl.ds(j * BLK, BLK), :]
        y[...] = (h - mean) * (rstd * gamma[...]) + beta[...]


def _tc_mlp_bn(parts, x, W1, W2, b1, b2, gamma, beta):
    row_spec = pl.BlockSpec((BLK, D), lambda p, j: (j, 0))
    out_spec = pl.BlockSpec((BLK, D), lambda p, j: (p * j, 0))
    mat_spec = pl.BlockSpec((D, D), lambda p, j: (0, 0))
    vec_spec = pl.BlockSpec((1, D), lambda p, j: (0, 0))
    parts_spec = pl.BlockSpec((NC, BLK, D), lambda p, j: (0, j, 0))
    return pl.pallas_call(
        _tc_mlp_bn_body,
        grid=(2, NB),
        in_specs=[parts_spec, row_spec, mat_spec, mat_spec,
                  vec_spec, vec_spec, vec_spec, vec_spec],
        out_specs=out_spec,
        out_shape=jax.ShapeDtypeStruct((N, D), jnp.float32),
        scratch_shapes=[
            pltpu.VMEM((N, D), jnp.float32),
            pltpu.VMEM((2, D), jnp.float32),
        ],
        compiler_params=pltpu.CompilerParams(
            dimension_semantics=("arbitrary", "arbitrary")),
    )(parts, x, W1, W2, b1, b2, gamma, beta)


def kernel(x, edge_index, batch, W1, b1, W2, b2, gamma, beta):
    parts = _sc_agg(x, edge_index.astype(jnp.int32).reshape(2 * E))
    return _tc_mlp_bn(parts, x, W1, W2,
                      b1.reshape(1, D), b2.reshape(1, D),
                      gamma.reshape(1, D), beta.reshape(1, D))

# --- scband reference (transcript-rebuilt; emitter-appended) ---
"""Pipeline reference for scband-graph-iso-bn-82042465288993 (READ-ONLY COPY).

The authoritative reference and input builder live on the scoring server;
editing this copy changes nothing except your own understanding.
"""

import jax, jax.numpy as jnp
import numpy as np

N = 10000
E = 320000
D_IN = 128
D_OUT = 128


def setup_inputs(seed: int = 0) -> dict:
    key = jax.random.key(seed)
    ks = jax.random.split(key, 8)
    x = jax.random.normal(ks[0], (N, D_IN), dtype=jnp.float32)
    edge_index = jax.random.randint(ks[1], (2, E), 0, N, dtype=jnp.int64)
    batch = jnp.zeros((N,), dtype=jnp.int64)
    # MLP params (PyTorch Linear default-ish init scale)
    s1 = 1.0 / np.sqrt(D_IN)
    s2 = 1.0 / np.sqrt(D_OUT)
    W1 = jax.random.uniform(ks[2], (D_IN, D_OUT), minval=-s1, maxval=s1, dtype=jnp.float32)
    b1 = jax.random.uniform(ks[3], (D_OUT,), minval=-s1, maxval=s1, dtype=jnp.float32)
    W2 = jax.random.uniform(ks[4], (D_OUT, D_OUT), minval=-s2, maxval=s2, dtype=jnp.float32)
    b2 = jax.random.uniform(ks[5], (D_OUT,), minval=-s2, maxval=s2, dtype=jnp.float32)
    gamma = jnp.ones((D_OUT,), dtype=jnp.float32)
    beta = jnp.zeros((D_OUT,), dtype=jnp.float32)
    return {"x": x, "edge_index": edge_index, "batch": batch,
            "W1": W1, "b1": b1, "W2": W2, "b2": b2,
            "gamma": gamma, "beta": beta}


def reference(x, edge_index, batch, W1, b1, W2, b2, gamma, beta):
    # GINConv (eps=0): h_i = nn((1+eps)*x_i + sum_{j in N(i)} x_j)
    src = edge_index[0]
    dst = edge_index[1]
    agg = jnp.zeros_like(x).at[dst].add(x[src])
    h = agg + x  # (1 + eps) * x with eps = 0
    # nn = Linear -> ReLU -> Linear
    h = h @ W1 + b1
    h = jax.nn.relu(h)
    h = h @ W2 + b2
    # outer F.relu
    h = jax.nn.relu(h)
    # BatchNorm1d (training mode: batch statistics, biased variance)
    mean = jnp.mean(h, axis=0)
    var = jnp.mean((h - mean) ** 2, axis=0)
    y = (h - mean) / jnp.sqrt(var + 1e-5) * gamma + beta
    return y

if __name__ == "__main__":
    import jax
    _d = setup_inputs()
    print(jax.jit(kernel)(*tuple(_d.values())))

</pallas_src>

<mosaic_0001>
#map = affine_map<(d0, d1) -> (0, 0)>
#map1 = affine_map<(d0, d1) -> (0)>
#map2 = affine_map<(d0, d1) -> (0, 0, 0)>
module attributes {stable_mosaic.version = 14 : i64} {
  func.func @_sc_agg_body(%arg0: i32, %arg1: i32, %arg2: memref<10000x128xf32, #tpu.memory_space<hbm>>, %arg3: memref<640000xi32, #tpu.memory_space<hbm>>, %arg4: memref<2x10240x128xf32, #tpu.memory_space<hbm>>, %arg5: memref<10240x128xf32, #tpu.memory_space<vmem_shared>>, %arg6: memref<10000xi32, #tpu.memory_space<vmem>>, %arg7: memref<40xi32, #tpu.memory_space<vmem>>, %arg8: memref<40xi32, #tpu.memory_space<vmem>>, %arg9: memref<40xi32, #tpu.memory_space<vmem>>, %arg10: memref<40xi32, #tpu.memory_space<vmem>>, %arg11: memref<40xi32, #tpu.memory_space<vmem>>, %arg12: memref<40xi32, #tpu.memory_space<vmem>>, %arg13: memref<40xi32, #tpu.memory_space<vmem>>, %arg14: memref<40x128xf32, #tpu.memory_space<vmem>>, %arg15: memref<40x128xf32, #tpu.memory_space<vmem>>, %arg16: memref<40x128xf32, #tpu.memory_space<vmem>>, %arg17: memref<40x128xf32, #tpu.memory_space<vmem>>, %arg18: memref<40x128xf32, #tpu.memory_space<vmem>>, %arg19: memref<40x128xf32, #tpu.memory_space<vmem>>, %arg20: memref<40x128xf32, #tpu.memory_space<vmem>>, %arg21: memref<!tpu.dma_semaphore, #tpu.memory_space<semaphore_mem>>, %arg22: memref<!tpu.dma_semaphore, #tpu.memory_space<semaphore_mem>>, %arg23: memref<!tpu.dma_semaphore, #tpu.memory_space<semaphore_mem>>, %arg24: memref<!tpu.dma_semaphore, #tpu.memory_space<semaphore_mem>>, %arg25: memref<!tpu.dma_semaphore, #tpu.memory_space<semaphore_mem>>, %arg26: memref<!tpu.dma_semaphore, #tpu.memory_space<semaphore_mem>>, %arg27: memref<!tpu.dma_semaphore, #tpu.memory_space<semaphore_mem>>, %arg28: memref<!tpu.dma_semaphore, #tpu.memory_space<semaphore_mem>>, %arg29: memref<!tpu.dma_semaphore, #tpu.memory_space<semaphore_mem>>, %arg30: memref<!tpu.dma_semaphore, #tpu.memory_space<semaphore_mem>>, %arg31: memref<!tpu.dma_semaphore, #tpu.memory_space<semaphore_mem>>, %arg32: memref<!tpu.dma_semaphore, #tpu.memory_space<semaphore_mem>>, %arg33: memref<!tpu.dma_semaphore, #tpu.memory_space<semaphore_mem>>, %arg34: memref<!tpu.dma_semaphore, #tpu.memory_space<semaphore_mem>>) attributes {dimension_semantics = [#tpu.dimension_semantics<core_parallel>, #tpu.dimension_semantics<subcore_parallel>], iteration_bounds = array<i64: 2, 16>, scalar_prefetch = 0 : i64, scratch_operands = 30 : i64, tpu.core_type = #tpu.core_type<sc_vector_subcore>, window_params = [{transform_indices = #map}, {transform_indices = #map1}, {transform_indices = #map2}]} {
    %mul3A = arith.constant 16 : i32
    %mul3A_0 = arith.muli %arg0, %mul3A : i32
    %add3A = arith.addi %mul3A_0, %arg1 : i32
    %mul3A_1 = arith.constant 640 : i32
    %mul3A_2 = arith.muli %arg1, %mul3A_1 : i32
    %lt3A = arith.constant 15 : i32
    %lt3A_3 = arith.cmpi slt, %arg1, %lt3A : i32
    %convert_element_type3A = arith.extui %lt3A_3 : i1 to i32
    %cond3A = arith.constant 0 : i32
    %cond3A_4 = arith.cmpi ne, %convert_element_type3A, %cond3A : i32
    scf.if %cond3A_4 {
      "tpu.region"() ({
        %run_scoped3A = tpu.sem_alloc : memref<!tpu.dma_semaphore, #tpu.memory_space<semaphore_mem>>
        %dma_start3A_193 = arith.constant 0 : i32
        %dma_start3A_194 = tpu.memref_slice %arg5[%mul3A_2, %dma_start3A_193] : memref<10240x128xf32, #tpu.memory_space<vmem_shared>> -> memref<640x128xf32, #tpu.memory_space<vmem_shared>>
        %dma_start3A_195 = arith.constant 0 : i32
        %dma_start3A_196 = tpu.memref_slice %arg2[%mul3A_2, %dma_start3A_195] : memref<10000x128xf32, #tpu.memory_space<hbm>> -> memref<640x128xf32, #tpu.memory_space<hbm>>
        tpu.enqueue_dma source(%dma_start3A_196 : memref<640x128xf32, #tpu.memory_space<hbm>>) target(%dma_start3A_194 : memref<640x128xf32, #tpu.memory_space<vmem_shared>>) target_semaphore(%run_scoped3A : memref<!tpu.dma_semaphore, #tpu.memory_space<semaphore_mem>>)
        %dma_wait3A_197 = arith.constant 0 : i32
        %dma_wait3A_198 = tpu.memref_slice %arg5[%mul3A_2, %dma_wait3A_197] : memref<10240x128xf32, #tpu.memory_space<vmem_shared>> -> memref<640x128xf32, #tpu.memory_space<vmem_shared>>
        %dma_wait3A_199 = arith.constant 0 : i32
        %dma_wait3A_200 = tpu.memref_slice %arg2[%mul3A_2, %dma_wait3A_199] : memref<10000x128xf32, #tpu.memory_space<hbm>> -> memref<640x128xf32, #tpu.memory_space<hbm>>
        tpu.wait_dma2 semaphore(%run_scoped3A : memref<!tpu.dma_semaphore, #tpu.memory_space<semaphore_mem>>) src(%dma_wait3A_200 : memref<640x128xf32, #tpu.memory_space<hbm>>) dst(%dma_wait3A_198 : memref<640x128xf32, #tpu.memory_space<vmem_shared>>)
        tpu.yield
      }) : () -> ()
    } else {
    }
    %eq3A = arith.constant 15 : i32
    %eq3A_5 = arith.cmpi eq, %arg1, %eq3A : i32
    %convert_element_type3A_6 = arith.extui %eq3A_5 : i1 to i32
    %cond3A_7 = arith.constant 0 : i32
    %cond3A_8 = arith.cmpi ne, %convert_element_type3A_6, %cond3A_7 : i32
    scf.if %cond3A_8 {
      "tpu.region"() ({
        %run_scoped3A = tpu.sem_alloc : memref<!tpu.dma_semaphore, #tpu.memory_space<semaphore_mem>>
        %dma_start3A_193 = arith.constant 9600 : i32
        %dma_start3A_194 = arith.constant 0 : i32
        %dma_start3A_195 = tpu.memref_slice %arg5[%dma_start3A_193, %dma_start3A_194] : memref<10240x128xf32, #tpu.memory_space<vmem_shared>> -> memref<400x128xf32, #tpu.memory_space<vmem_shared>>
        %dma_start3A_196 = arith.constant 9600 : i32
        %dma_start3A_197 = arith.constant 0 : i32
        %dma_start3A_198 = tpu.memref_slice %arg2[%dma_start3A_196, %dma_start3A_197] : memref<10000x128xf32, #tpu.memory_space<hbm>> -> memref<400x128xf32, #tpu.memory_space<hbm>>
        tpu.enqueue_dma source(%dma_start3A_198 : memref<400x128xf32, #tpu.memory_space<hbm>>) target(%dma_start3A_195 : memref<400x128xf32, #tpu.memory_space<vmem_shared>>) target_semaphore(%run_scoped3A : memref<!tpu.dma_semaphore, #tpu.memory_space<semaphore_mem>>)
        %dma_wait3A_199 = arith.constant 9600 : i32
        %dma_wait3A_200 = arith.constant 0 : i32
        %dma_wait3A_201 = tpu.memref_slice %arg5[%dma_wait3A_199, %dma_wait3A_200] : memref<10240x128xf32, #tpu.memory_space<vmem_shared>> -> memref<400x128xf32, #tpu.memory_space<vmem_shared>>
        %dma_wait3A_202 = arith.constant 9600 : i32
        %dma_wait3A_203 = arith.constant 0 : i32
        %dma_wait3A_204 = tpu.memref_slice %arg2[%dma_wait3A_202, %dma_wait3A_203] : memref<10000x128xf32, #tpu.memory_space<hbm>> -> memref<400x128xf32, #tpu.memory_space<hbm>>
        tpu.wait_dma2 semaphore(%run_scoped3A : memref<!tpu.dma_semaphore, #tpu.memory_space<semaphore_mem>>) src(%dma_wait3A_204 : memref<400x128xf32, #tpu.memory_space<hbm>>) dst(%dma_wait3A_201 : memref<400x128xf32, #tpu.memory_space<vmem_shared>>)
        tpu.yield
      }) : () -> ()
    } else {
    }
    %mul3A_9 = arith.constant 10000 : i32
    %mul3A_10 = arith.muli %add3A, %mul3A_9 : i32
    %multiple_of3A = tpu.assume_multiple %mul3A_10, 8 : i32
    "tpu.region"() ({
      %run_scoped3A = tpu.sem_alloc : memref<!tpu.dma_semaphore, #tpu.memory_space<semaphore_mem>>
      %dma_start3A_193 = tpu.memref_slice %arg3[%multiple_of3A] : memref<640000xi32, #tpu.memory_space<hbm>> -> memref<10000xi32, #tpu.memory_space<hbm>>
      %dma_start3A_194 = tpu.memref_slice %arg3[%multiple_of3A] : memref<640000xi32, #tpu.memory_space<hbm>> -> memref<10000xi32, #tpu.memory_space<hbm>>
      tpu.enqueue_dma source(%dma_start3A_194 : memref<10000xi32, #tpu.memory_space<hbm>>) target(%arg6 : memref<10000xi32, #tpu.memory_space<vmem>>) target_semaphore(%run_scoped3A : memref<!tpu.dma_semaphore, #tpu.memory_space<semaphore_mem>>)
      %dma_wait3A_195 = tpu.memref_slice %arg3[%multiple_of3A] : memref<640000xi32, #tpu.memory_space<hbm>> -> memref<10000xi32, #tpu.memory_space<hbm>>
      %dma_wait3A_196 = tpu.memref_slice %arg3[%multiple_of3A] : memref<640000xi32, #tpu.memory_space<hbm>> -> memref<10000xi32, #tpu.memory_space<hbm>>
      tpu.wait_dma2 semaphore(%run_scoped3A : memref<!tpu.dma_semaphore, #tpu.memory_space<semaphore_mem>>) src(%dma_wait3A_196 : memref<10000xi32, #tpu.memory_space<hbm>>) dst(%arg6 : memref<10000xi32, #tpu.memory_space<vmem>>)
      tpu.yield
    }) : () -> ()
    %barrier3A = arith.constant 0 : index
    tpu.barrier barrier_id(%barrier3A)
    %add3A_11 = arith.constant 0 : i32
    %add3A_12 = arith.addi %mul3A_10, %add3A_11 : i32
    %multiple_of3A_13 = tpu.assume_multiple %add3A_12, 8 : i32
    %add3A_14 = arith.constant 320000 : i32
    %add3A_15 = arith.addi %add3A_14, %multiple_of3A_13 : i32
    %dma_start3A = tpu.memref_slice %arg3[%add3A_15] : memref<640000xi32, #tpu.memory_space<hbm>> -> memref<40xi32, #tpu.memory_space<hbm>>
    %dma_start3A_16 = tpu.memref_slice %arg3[%add3A_15] : memref<640000xi32, #tpu.memory_space<hbm>> -> memref<40xi32, #tpu.memory_space<hbm>>
    tpu.enqueue_dma source(%dma_start3A_16 : memref<40xi32, #tpu.memory_space<hbm>>) target(%arg7 : memref<40xi32, #tpu.memory_space<vmem>>) target_semaphore(%arg28 : memref<!tpu.dma_semaphore, #tpu.memory_space<semaphore_mem>>)
    %dma_start3A_17 = arith.constant 0 : i32
    %dma_start3A_18 = tpu.memref_slice %arg6[%dma_start3A_17] : memref<10000xi32, #tpu.memory_space<vmem>> -> memref<40xi32, #tpu.memory_space<vmem>>
    %dma_start3A_19 = arith.constant 0 : i32
    %dma_start3A_20 = arith.constant 0 : i32
    %dma_start3A_21 = tpu.memref_slice %arg2[%dma_start3A_19, %dma_start3A_20] : memref<10000x128xf32, #tpu.memory_space<hbm>> -> memref<10000x128xf32, #tpu.memory_space<hbm>>
    tpu.enqueue_indirect_dma source(%dma_start3A_21 : memref<10000x128xf32, #tpu.memory_space<hbm>>) target(%arg14 : memref<40x128xf32, #tpu.memory_space<vmem>>) offsets(%dma_start3A_18 : memref<40xi32, #tpu.memory_space<vmem>>) semaphore(%arg21 : memref<!tpu.dma_semaphore, #tpu.memory_space<semaphore_mem>>)
    %add3A_22 = arith.constant 40 : i32
    %add3A_23 = arith.addi %mul3A_10, %add3A_22 : i32
    %multiple_of3A_24 = tpu.assume_multiple %add3A_23, 8 : i32
    %add3A_25 = arith.constant 320000 : i32
    %add3A_26 = arith.addi %add3A_25, %multiple_of3A_24 : i32
    %dma_start3A_27 = tpu.memref_slice %arg3[%add3A_26] : memref<640000xi32, #tpu.memory_space<hbm>> -> memref<40xi32, #tpu.memory_space<hbm>>
    %dma_start3A_28 = tpu.memref_slice %arg3[%add3A_26] : memref<640000xi32, #tpu.memory_space<hbm>> -> memref<40xi32, #tpu.memory_space<hbm>>
    tpu.enqueue_dma source(%dma_start3A_28 : memref<40xi32, #tpu.memory_space<hbm>>) target(%arg8 : memref<40xi32, #tpu.memory_space<vmem>>) target_semaphore(%arg29 : memref<!tpu.dma_semaphore, #tpu.memory_space<semaphore_mem>>)
    %dma_start3A_29 = arith.constant 40 : i32
    %dma_start3A_30 = tpu.memref_slice %arg6[%dma_start3A_29] : memref<10000xi32, #tpu.memory_space<vmem>> -> memref<40xi32, #tpu.memory_space<vmem>>
    %dma_start3A_31 = arith.constant 0 : i32
    %dma_start3A_32 = arith.constant 0 : i32
    %dma_start3A_33 = tpu.memref_slice %arg2[%dma_start3A_31, %dma_start3A_32] : memref<10000x128xf32, #tpu.memory_space<hbm>> -> memref<10000x128xf32, #tpu.memory_space<hbm>>
    tpu.enqueue_indirect_dma source(%dma_start3A_33 : memref<10000x128xf32, #tpu.memory_space<hbm>>) target(%arg15 : memref<40x128xf32, #tpu.memory_space<vmem>>) offsets(%dma_start3A_30 : memref<40xi32, #tpu.memory_space<vmem>>) semaphore(%arg22 : memref<!tpu.dma_semaphore, #tpu.memory_space<semaphore_mem>>)
    %add3A_34 = arith.constant 80 : i32
    %add3A_35 = arith.addi %mul3A_10, %add3A_34 : i32
    %multiple_of3A_36 = tpu.assume_multiple %add3A_35, 8 : i32
    %add3A_37 = arith.constant 320000 : i32
    %add3A_38 = arith.addi %add3A_37, %multiple_of3A_36 : i32
    %dma_start3A_39 = tpu.memref_slice %arg3[%add3A_38] : memref<640000xi32, #tpu.memory_space<hbm>> -> memref<40xi32, #tpu.memory_space<hbm>>
    %dma_start3A_40 = tpu.memref_slice %arg3[%add3A_38] : memref<640000xi32, #tpu.memory_space<hbm>> -> memref<40xi32, #tpu.memory_space<hbm>>
    tpu.enqueue_dma source(%dma_start3A_40 : memref<40xi32, #tpu.memory_space<hbm>>) target(%arg9 : memref<40xi32, #tpu.memory_space<vmem>>) target_semaphore(%arg30 : memref<!tpu.dma_semaphore, #tpu.memory_space<semaphore_mem>>)
    %dma_start3A_41 = arith.constant 80 : i32
    %dma_start3A_42 = tpu.memref_slice %arg6[%dma_start3A_41] : memref<10000xi32, #tpu.memory_space<vmem>> -> memref<40xi32, #tpu.memory_space<vmem>>
    %dma_start3A_43 = arith.constant 0 : i32
    %dma_start3A_44 = arith.constant 0 : i32
    %dma_start3A_45 = tpu.memref_slice %arg2[%dma_start3A_43, %dma_start3A_44] : memref<10000x128xf32, #tpu.memory_space<hbm>> -> memref<10000x128xf32, #tpu.memory_space<hbm>>
    tpu.enqueue_indirect_dma source(%dma_start3A_45 : memref<10000x128xf32, #tpu.memory_space<hbm>>) target(%arg16 : memref<40x128xf32, #tpu.memory_space<vmem>>) offsets(%dma_start3A_42 : memref<40xi32, #tpu.memory_space<vmem>>) semaphore(%arg23 : memref<!tpu.dma_semaphore, #tpu.memory_space<semaphore_mem>>)
    %add3A_46 = arith.constant 120 : i32
    %add3A_47 = arith.addi %mul3A_10, %add3A_46 : i32
    %multiple_of3A_48 = tpu.assume_multiple %add3A_47, 8 : i32
    %add3A_49 = arith.constant 320000 : i32
    %add3A_50 = arith.addi %add3A_49, %multiple_of3A_48 : i32
    %dma_start3A_51 = tpu.memref_slice %arg3[%add3A_50] : memref<640000xi32, #tpu.memory_space<hbm>> -> memref<40xi32, #tpu.memory_space<hbm>>
    %dma_start3A_52 = tpu.memref_slice %arg3[%add3A_50] : memref<640000xi32, #tpu.memory_space<hbm>> -> memref<40xi32, #tpu.memory_space<hbm>>
    tpu.enqueue_dma source(%dma_start3A_52 : memref<40xi32, #tpu.memory_space<hbm>>) target(%arg10 : memref<40xi32, #tpu.memory_space<vmem>>) target_semaphore(%arg31 : memref<!tpu.dma_semaphore, #tpu.memory_space<semaphore_mem>>)
    %dma_start3A_53 = arith.constant 120 : i32
    %dma_start3A_54 = tpu.memref_slice %arg6[%dma_start3A_53] : memref<10000xi32, #tpu.memory_space<vmem>> -> memref<40xi32, #tpu.memory_space<vmem>>
    %dma_start3A_55 = arith.constant 0 : i32
    %dma_start3A_56 = arith.constant 0 : i32
    %dma_start3A_57 = tpu.memref_slice %arg2[%dma_start3A_55, %dma_start3A_56] : memref<10000x128xf32, #tpu.memory_space<hbm>> -> memref<10000x128xf32, #tpu.memory_space<hbm>>
    tpu.enqueue_indirect_dma source(%dma_start3A_57 : memref<10000x128xf32, #tpu.memory_space<hbm>>) target(%arg17 : memref<40x128xf32, #tpu.memory_space<vmem>>) offsets(%dma_start3A_54 : memref<40xi32, #tpu.memory_space<vmem>>) semaphore(%arg24 : memref<!tpu.dma_semaphore, #tpu.memory_space<semaphore_mem>>)
    %add3A_58 = arith.constant 160 : i32
    %add3A_59 = arith.addi %mul3A_10, %add3A_58 : i32
    %multiple_of3A_60 = tpu.assume_multiple %add3A_59, 8 : i32
    %add3A_61 = arith.constant 320000 : i32
    %add3A_62 = arith.addi %add3A_61, %multiple_of3A_60 : i32
    %dma_start3A_63 = tpu.memref_slice %arg3[%add3A_62] : memref<640000xi32, #tpu.memory_space<hbm>> -> memref<40xi32, #tpu.memory_space<hbm>>
    %dma_start3A_64 = tpu.memref_slice %arg3[%add3A_62] : memref<640000xi32, #tpu.memory_space<hbm>> -> memref<40xi32, #tpu.memory_space<hbm>>
    tpu.enqueue_dma source(%dma_start3A_64 : memref<40xi32, #tpu.memory_space<hbm>>) target(%arg11 : memref<40xi32, #tpu.memory_space<vmem>>) target_semaphore(%arg32 : memref<!tpu.dma_semaphore, #tpu.memory_space<semaphore_mem>>)
    %dma_start3A_65 = arith.constant 160 : i32
    %dma_start3A_66 = tpu.memref_slice %arg6[%dma_start3A_65] : memref<10000xi32, #tpu.memory_space<vmem>> -> memref<40xi32, #tpu.memory_space<vmem>>
    %dma_start3A_67 = arith.constant 0 : i32
    %dma_start3A_68 = arith.constant 0 : i32
    %dma_start3A_69 = tpu.memref_slice %arg2[%dma_start3A_67, %dma_start3A_68] : memref<10000x128xf32, #tpu.memory_space<hbm>> -> memref<10000x128xf32, #tpu.memory_space<hbm>>
    tpu.enqueue_indirect_dma source(%dma_start3A_69 : memref<10000x128xf32, #tpu.memory_space<hbm>>) target(%arg18 : memref<40x128xf32, #tpu.memory_space<vmem>>) offsets(%dma_start3A_66 : memref<40xi32, #tpu.memory_space<vmem>>) semaphore(%arg25 : memref<!tpu.dma_semaphore, #tpu.memory_space<semaphore_mem>>)
    %add3A_70 = arith.constant 200 : i32
    %add3A_71 = arith.addi %mul3A_10, %add3A_70 : i32
    %multiple_of3A_72 = tpu.assume_multiple %add3A_71, 8 : i32
    %add3A_73 = arith.constant 320000 : i32
    %add3A_74 = arith.addi %add3A_73, %multiple_of3A_72 : i32
    %dma_start3A_75 = tpu.memref_slice %arg3[%add3A_74] : memref<640000xi32, #tpu.memory_space<hbm>> -> memref<40xi32, #tpu.memory_space<hbm>>
    %dma_start3A_76 = tpu.memref_slice %arg3[%add3A_74] : memref<640000xi32, #tpu.memory_space<hbm>> -> memref<40xi32, #tpu.memory_space<hbm>>
    tpu.enqueue_dma source(%dma_start3A_76 : memref<40xi32, #tpu.memory_space<hbm>>) target(%arg12 : memref<40xi32, #tpu.memory_space<vmem>>) target_semaphore(%arg33 : memref<!tpu.dma_semaphore, #tpu.memory_space<semaphore_mem>>)
    %dma_start3A_77 = arith.constant 200 : i32
    %dma_start3A_78 = tpu.memref_slice %arg6[%dma_start3A_77] : memref<10000xi32, #tpu.memory_space<vmem>> -> memref<40xi32, #tpu.memory_space<vmem>>
    %dma_start3A_79 = arith.constant 0 : i32
    %dma_start3A_80 = arith.constant 0 : i32
    %dma_start3A_81 = tpu.memref_slice %arg2[%dma_start3A_79, %dma_start3A_80] : memref<10000x128xf32, #tpu.memory_space<hbm>> -> memref<10000x128xf32, #tpu.memory_space<hbm>>
    tpu.enqueue_indirect_dma source(%dma_start3A_81 : memref<10000x128xf32, #tpu.memory_space<hbm>>) target(%arg19 : memref<40x128xf32, #tpu.memory_space<vmem>>) offsets(%dma_start3A_78 : memref<40xi32, #tpu.memory_space<vmem>>) semaphore(%arg26 : memref<!tpu.dma_semaphore, #tpu.memory_space<semaphore_mem>>)
    %add3A_82 = arith.constant 240 : i32
    %add3A_83 = arith.addi %mul3A_10, %add3A_82 : i32
    %multiple_of3A_84 = tpu.assume_multiple %add3A_83, 8 : i32
    %add3A_85 = arith.constant 320000 : i32
    %add3A_86 = arith.addi %add3A_85, %multiple_of3A_84 : i32
    %dma_start3A_87 = tpu.memref_slice %arg3[%add3A_86] : memref<640000xi32, #tpu.memory_space<hbm>> -> memref<40xi32, #tpu.memory_space<hbm>>
    %dma_start3A_88 = tpu.memref_slice %arg3[%add3A_86] : memref<640000xi32, #tpu.memory_space<hbm>> -> memref<40xi32, #tpu.memory_space<hbm>>
    tpu.enqueue_dma source(%dma_start3A_88 : memref<40xi32, #tpu.memory_space<hbm>>) target(%arg13 : memref<40xi32, #tpu.memory_space<vmem>>) target_semaphore(%arg34 : memref<!tpu.dma_semaphore, #tpu.memory_space<semaphore_mem>>)
    %dma_start3A_89 = arith.constant 240 : i32
    %dma_start3A_90 = tpu.memref_slice %arg6[%dma_start3A_89] : memref<10000xi32, #tpu.memory_space<vmem>> -> memref<40xi32, #tpu.memory_space<vmem>>
    %dma_start3A_91 = arith.constant 0 : i32
    %dma_start3A_92 = arith.constant 0 : i32
    %dma_start3A_93 = tpu.memref_slice %arg2[%dma_start3A_91, %dma_start3A_92] : memref<10000x128xf32, #tpu.memory_space<hbm>> -> memref<10000x128xf32, #tpu.memory_space<hbm>>
    tpu.enqueue_indirect_dma source(%dma_start3A_93 : memref<10000x128xf32, #tpu.memory_space<hbm>>) target(%arg20 : memref<40x128xf32, #tpu.memory_space<vmem>>) offsets(%dma_start3A_90 : memref<40xi32, #tpu.memory_space<vmem>>) semaphore(%arg27 : memref<!tpu.dma_semaphore, #tpu.memory_space<semaphore_mem>>)
    %scan3A = arith.constant 0 : i32
    %scan3A_94 = arith.constant 0 : i32
    %scan3A_95 = arith.constant 35 : i32
    %scan3A_96 = arith.addi %scan3A_94, %scan3A_95 : i32
    %scan3A_97 = arith.constant 1 : i32
    scf.for %scan3A_193 = %scan3A_94 to %scan3A_96 step %scan3A_97  : i32 {
      %mul3A_194 = arith.constant 7 : i32
      %mul3A_195 = arith.muli %mul3A_194, %scan3A_193 : i32
      %add3A_196 = arith.constant 0 : i32
      %add3A_197 = arith.addi %mul3A_195, %add3A_196 : i32
      %mul3A_198 = arith.constant 40 : i32
      %mul3A_199 = arith.muli %add3A_197, %mul3A_198 : i32
      %dma_wait3A_200 = tpu.memref_slice %arg6[%mul3A_199] : memref<10000xi32, #tpu.memory_space<vmem>> -> memref<40xi32, #tpu.memory_space<vmem>>
      %dma_wait3A_201 = arith.constant 0 : i32
      %dma_wait3A_202 = arith.constant 0 : i32
      %dma_wait3A_203 = tpu.memref_slice %arg2[%dma_wait3A_201, %dma_wait3A_202] : memref<10000x128xf32, #tpu.memory_space<hbm>> -> memref<10000x128xf32, #tpu.memory_space<hbm>>
      tpu.wait_indirect_dma semaphore(%arg21 : memref<!tpu.dma_semaphore, #tpu.memory_space<semaphore_mem>>) src(%dma_wait3A_203 : memref<10000x128xf32, #tpu.memory_space<hbm>>) dst(%arg14 : memref<40x128xf32, #tpu.memory_space<vmem>>)
      %mul3A_204 = arith.constant 40 : i32
      %mul3A_205 = arith.muli %add3A_197, %mul3A_204 : i32
      %add3A_206 = arith.addi %mul3A_10, %mul3A_205 : i32
      %multiple_of3A_207 = tpu.assume_multiple %add3A_206, 8 : i32
      %add3A_208 = arith.constant 320000 : i32
      %add3A_209 = arith.addi %add3A_208, %multiple_of3A_207 : i32
      %dma_wait3A_210 = tpu.memref_slice %arg3[%add3A_209] : memref<640000xi32, #tpu.memory_space<hbm>> -> memref<40xi32, #tpu.memory_space<hbm>>
      %dma_wait3A_211 = tpu.memref_slice %arg3[%add3A_209] : memref<640000xi32, #tpu.memory_space<hbm>> -> memref<40xi32, #tpu.memory_space<hbm>>
      tpu.wait_dma2 semaphore(%arg28 : memref<!tpu.dma_semaphore, #tpu.memory_space<semaphore_mem>>) src(%dma_wait3A_211 : memref<40xi32, #tpu.memory_space<hbm>>) dst(%arg7 : memref<40xi32, #tpu.memory_space<vmem>>)
      "tpu.region"() ({
        %run_scoped3A = tpu.sem_alloc : memref<!tpu.dma_semaphore, #tpu.memory_space<semaphore_mem>>
        %dma_start3A_433 = arith.constant 0 : i32
        %dma_start3A_434 = arith.constant 0 : i32
        %dma_start3A_435 = tpu.memref_slice %arg5[%dma_start3A_433, %dma_start3A_434] : memref<10240x128xf32, #tpu.memory_space<vmem_shared>> -> memref<10240x128xf32, #tpu.memory_space<vmem_shared>>
        tpu.enqueue_indirect_dma source(%arg14 : memref<40x128xf32, #tpu.memory_space<vmem>>) target(%dma_start3A_435 : memref<10240x128xf32, #tpu.memory_space<vmem_shared>>) offsets(%arg7 : memref<40xi32, #tpu.memory_space<vmem>>) semaphore(%run_scoped3A : memref<!tpu.dma_semaphore, #tpu.memory_space<semaphore_mem>>) {add = true}
        %dma_wait3A_436 = arith.constant 0 : i32
        %dma_wait3A_437 = arith.constant 0 : i32
        %dma_wait3A_438 = tpu.memref_slice %arg5[%dma_wait3A_436, %dma_wait3A_437] : memref<10240x128xf32, #tpu.memory_space<vmem_shared>> -> memref<10240x128xf32, #tpu.memory_space<vmem_shared>>
        tpu.wait_indirect_dma semaphore(%run_scoped3A : memref<!tpu.dma_semaphore, #tpu.memory_space<semaphore_mem>>) src(%arg14 : memref<40x128xf32, #tpu.memory_space<vmem>>) dst(%dma_wait3A_438 : memref<10240x128xf32, #tpu.memory_space<vmem_shared>>)
        tpu.yield
      }) : () -> ()
      %add3A_212 = arith.constant 7 : i32
      %add3A_213 = arith.addi %add3A_197, %add3A_212 : i32
      %min3A = arith.constant 249 : i32
      %min3A_214 = arith.minsi %add3A_213, %min3A : i32
      %mul3A_215 = arith.constant 40 : i32
      %mul3A_216 = arith.muli %min3A_214, %mul3A_215 : i32
      %dma_start3A_217 = tpu.memref_slice %arg6[%mul3A_216] : memref<10000xi32, #tpu.memory_space<vmem>> -> memref<40xi32, #tpu.memory_space<vmem>>
      %dma_start3A_218 = arith.constant 0 : i32
      %dma_start3A_219 = arith.constant 0 : i32
      %dma_start3A_220 = tpu.memref_slice %arg2[%dma_start3A_218, %dma_start3A_219] : memref<10000x128xf32, #tpu.memory_space<hbm>> -> memref<10000x128xf32, #tpu.memory_space<hbm>>
      tpu.enqueue_indirect_dma source(%dma_start3A_220 : memref<10000x128xf32, #tpu.memory_space<hbm>>) target(%arg14 : memref<40x128xf32, #tpu.memory_space<vmem>>) offsets(%dma_start3A_217 : memref<40xi32, #tpu.memory_space<vmem>>) semaphore(%arg21 : memref<!tpu.dma_semaphore, #tpu.memory_space<semaphore_mem>>)
      %mul3A_221 = arith.constant 40 : i32
      %mul3A_222 = arith.muli %min3A_214, %mul3A_221 : i32
      %add3A_223 = arith.addi %mul3A_10, %mul3A_222 : i32
      %multiple_of3A_224 = tpu.assume_multiple %add3A_223, 8 : i32
      %add3A_225 = arith.constant 320000 : i32
      %add3A_226 = arith.addi %add3A_225, %multiple_of3A_224 : i32
      %dma_start3A_227 = tpu.memref_slice %arg3[%add3A_226] : memref<640000xi32, #tpu.memory_space<hbm>> -> memref<40xi32, #tpu.memory_space<hbm>>
      %dma_start3A_228 = tpu.memref_slice %arg3[%add3A_226] : memref<640000xi32, #tpu.memory_space<hbm>> -> memref<40xi32, #tpu.memory_space<hbm>>
      tpu.enqueue_dma source(%dma_start3A_228 : memref<40xi32, #tpu.memory_space<hbm>>) target(%arg7 : memref<40xi32, #tpu.memory_space<vmem>>) target_semaphore(%arg28 : memref<!tpu.dma_semaphore, #tpu.memory_space<semaphore_mem>>)
      %add3A_229 = arith.constant 1 : i32
      %add3A_230 = arith.addi %mul3A_195, %add3A_229 : i32
      %mul3A_231 = arith.constant 40 : i32
      %mul3A_232 = arith.muli %add3A_230, %mul3A_231 : i32
      %dma_wait3A_233 = tpu.memref_slice %arg6[%mul3A_232] : memref<10000xi32, #tpu.memory_space<vmem>> -> memref<40xi32, #tpu.memory_space<vmem>>
      %dma_wait3A_234 = arith.constant 0 : i32
      %dma_wait3A_235 = arith.constant 0 : i32
      %dma_wait3A_236 = tpu.memref_slice %arg2[%dma_wait3A_234, %dma_wait3A_235] : memref<10000x128xf32, #tpu.memory_space<hbm>> -> memref<10000x128xf32, #tpu.memory_space<hbm>>
      tpu.wait_indirect_dma semaphore(%arg22 : memref<!tpu.dma_semaphore, #tpu.memory_space<semaphore_mem>>) src(%dma_wait3A_236 : memref<10000x128xf32, #tpu.memory_space<hbm>>) dst(%arg15 : memref<40x128xf32, #tpu.memory_space<vmem>>)
      %mul3A_237 = arith.constant 40 : i32
      %mul3A_238 = arith.muli %add3A_230, %mul3A_237 : i32
      %add3A_239 = arith.addi %mul3A_10, %mul3A_238 : i32
      %multiple_of3A_240 = tpu.assume_multiple %add3A_239, 8 : i32
      %add3A_241 = arith.constant 320000 : i32
      %add3A_242 = arith.addi %add3A_241, %multiple_of3A_240 : i32
      %dma_wait3A_243 = tpu.memref_slice %arg3[%add3A_242] : memref<640000xi32, #tpu.memory_space<hbm>> -> memref<40xi32, #tpu.memory_space<hbm>>
      %dma_wait3A_244 = tpu.memref_slice %arg3[%add3A_242] : memref<640000xi32, #tpu.memory_space<hbm>> -> memref<40xi32, #tpu.memory_space<hbm>>
      tpu.wait_dma2 semaphore(%arg29 : memref<!tpu.dma_semaphore, #tpu.memory_space<semaphore_mem>>) src(%dma_wait3A_244 : memref<40xi32, #tpu.memory_space<hbm>>) dst(%arg8 : memref<40xi32, #tpu.memory_space<vmem>>)
      "tpu.region"() ({
        %run_scoped3A = tpu.sem_alloc : memref<!tpu.dma_semaphore, #tpu.memory_space<semaphore_mem>>
        %dma_start3A_433 = arith.constant 0 : i32
        %dma_start3A_434 = arith.constant 0 : i32
        %dma_start3A_435 = tpu.memref_slice %arg5[%dma_start3A_433, %dma_start3A_434] : memref<10240x128xf32, #tpu.memory_space<vmem_shared>> -> memref<10240x128xf32, #tpu.memory_space<vmem_shared>>
        tpu.enqueue_indirect_dma source(%arg15 : memref<40x128xf32, #tpu.memory_space<vmem>>) target(%dma_start3A_435 : memref<10240x128xf32, #tpu.memory_space<vmem_shared>>) offsets(%arg8 : memref<40xi32, #tpu.memory_space<vmem>>) semaphore(%run_scoped3A : memref<!tpu.dma_semaphore, #tpu.memory_space<semaphore_mem>>) {add = true}
        %dma_wait3A_436 = arith.constant 0 : i32
        %dma_wait3A_437 = arith.constant 0 : i32
        %dma_wait3A_438 = tpu.memref_slice %arg5[%dma_wait3A_436, %dma_wait3A_437] : memref<10240x128xf32, #tpu.memory_space<vmem_shared>> -> memref<10240x128xf32, #tpu.memory_space<vmem_shared>>
        tpu.wait_indirect_dma semaphore(%run_scoped3A : memref<!tpu.dma_semaphore, #tpu.memory_space<semaphore_mem>>) src(%arg15 : memref<40x128xf32, #tpu.memory_space<vmem>>) dst(%dma_wait3A_438 : memref<10240x128xf32, #tpu.memory_space<vmem_shared>>)
        tpu.yield
      }) : () -> ()
      %add3A_245 = arith.constant 7 : i32
      %add3A_246 = arith.addi %add3A_230, %add3A_245 : i32
      %min3A_247 = arith.constant 249 : i32
      %min3A_248 = arith.minsi %add3A_246, %min3A_247 : i32
      %mul3A_249 = arith.constant 40 : i32
      %mul3A_250 = arith.muli %min3A_248, %mul3A_249 : i32
      %dma_start3A_251 = tpu.memref_slice %arg6[%mul3A_250] : memref<10000xi32, #tpu.memory_space<vmem>> -> memref<40xi32, #tpu.memory_space<vmem>>
      %dma_start3A_252 = arith.constant 0 : i32
      %dma_start3A_253 = arith.constant 0 : i32
      %dma_start3A_254 = tpu.memref_slice %arg2[%dma_start3A_252, %dma_start3A_253] : memref<10000x128xf32, #tpu.memory_space<hbm>> -> memref<10000x128xf32, #tpu.memory_space<hbm>>
      tpu.enqueue_indirect_dma source(%dma_start3A_254 : memref<10000x128xf32, #tpu.memory_space<hbm>>) target(%arg15 : memref<40x128xf32, #tpu.memory_space<vmem>>) offsets(%dma_start3A_251 : memref<40xi32, #tpu.memory_space<vmem>>) semaphore(%arg22 : memref<!tpu.dma_semaphore, #tpu.memory_space<semaphore_mem>>)
      %mul3A_255 = arith.constant 40 : i32
      %mul3A_256 = arith.muli %min3A_248, %mul3A_255 : i32
      %add3A_257 = arith.addi %mul3A_10, %mul3A_256 : i32
      %multiple_of3A_258 = tpu.assume_multiple %add3A_257, 8 : i32
      %add3A_259 = arith.constant 320000 : i32
      %add3A_260 = arith.addi %add3A_259, %multiple_of3A_258 : i32
      %dma_start3A_261 = tpu.memref_slice %arg3[%add3A_260] : memref<640000xi32, #tpu.memory_space<hbm>> -> memref<40xi32, #tpu.memory_space<hbm>>
      %dma_start3A_262 = tpu.memref_slice %arg3[%add3A_260] : memref<640000xi32, #tpu.memory_space<hbm>> -> memref<40xi32, #tpu.memory_space<hbm>>
      tpu.enqueue_dma source(%dma_start3A_262 : memref<40xi32, #tpu.memory_space<hbm>>) target(%arg8 : memref<40xi32, #tpu.memory_space<vmem>>) target_semaphore(%arg29 : memref<!tpu.dma_semaphore, #tpu.memory_space<semaphore_mem>>)
      %add3A_263 = arith.constant 2 : i32
      %add3A_264 = arith.addi %mul3A_195, %add3A_263 : i32
      %mul3A_265 = arith.constant 40 : i32
      %mul3A_266 = arith.muli %add3A_264, %mul3A_265 : i32
      %dma_wait3A_267 = tpu.memref_slice %arg6[%mul3A_266] : memref<10000xi32, #tpu.memory_space<vmem>> -> memref<40xi32, #tpu.memory_space<vmem>>
      %dma_wait3A_268 = arith.constant 0 : i32
      %dma_wait3A_269 = arith.constant 0 : i32
      %dma_wait3A_270 = tpu.memref_slice %arg2[%dma_wait3A_268, %dma_wait3A_269] : memref<10000x128xf32, #tpu.memory_space<hbm>> -> memref<10000x128xf32, #tpu.memory_space<hbm>>
      tpu.wait_indirect_dma semaphore(%arg23 : memref<!tpu.dma_semaphore, #tpu.memory_space<semaphore_mem>>) src(%dma_wait3A_270 : memref<10000x128xf32, #tpu.memory_space<hbm>>) dst(%arg16 : memref<40x128xf32, #tpu.memory_space<vmem>>)
      %mul3A_271 = arith.constant 40 : i32
      %mul3A_272 = arith.muli %add3A_264, %mul3A_271 : i32
      %add3A_273 = arith.addi %mul3A_10, %mul3A_272 : i32
      %multiple_of3A_274 = tpu.assume_multiple %add3A_273, 8 : i32
      %add3A_275 = arith.constant 320000 : i32
      %add3A_276 = arith.addi %add3A_275, %multiple_of3A_274 : i32
      %dma_wait3A_277 = tpu.memref_slice %arg3[%add3A_276] : memref<640000xi32, #tpu.memory_space<hbm>> -> memref<40xi32, #tpu.memory_space<hbm>>
      %dma_wait3A_278 = tpu.memref_slice %arg3[%add3A_276] : memref<640000xi32, #tpu.memory_space<hbm>> -> memref<40xi32, #tpu.memory_space<hbm>>
      tpu.wait_dma2 semaphore(%arg30 : memref<!tpu.dma_semaphore, #tpu.memory_space<semaphore_mem>>) src(%dma_wait3A_278 : memref<40xi32, #tpu.memory_space<hbm>>) dst(%arg9 : memref<40xi32, #tpu.memory_space<vmem>>)
      "tpu.region"() ({
        %run_scoped3A = tpu.sem_alloc : memref<!tpu.dma_semaphore, #tpu.memory_space<semaphore_mem>>
        %dma_start3A_433 = arith.constant 0 : i32
        %dma_start3A_434 = arith.constant 0 : i32
        %dma_start3A_435 = tpu.memref_slice %arg5[%dma_start3A_433, %dma_start3A_434] : memref<10240x128xf32, #tpu.memory_space<vmem_shared>> -> memref<10240x128xf32, #tpu.memory_space<vmem_shared>>
        tpu.enqueue_indirect_dma source(%arg16 : memref<40x128xf32, #tpu.memory_space<vmem>>) target(%dma_start3A_435 : memref<10240x128xf32, #tpu.memory_space<vmem_shared>>) offsets(%arg9 : memref<40xi32, #tpu.memory_space<vmem>>) semaphore(%run_scoped3A : memref<!tpu.dma_semaphore, #tpu.memory_space<semaphore_mem>>) {add = true}
        %dma_wait3A_436 = arith.constant 0 : i32
        %dma_wait3A_437 = arith.constant 0 : i32
        %dma_wait3A_438 = tpu.memref_slice %arg5[%dma_wait3A_436, %dma_wait3A_437] : memref<10240x128xf32, #tpu.memory_space<vmem_shared>> -> memref<10240x128xf32, #tpu.memory_space<vmem_shared>>
        tpu.wait_indirect_dma semaphore(%run_scoped3A : memref<!tpu.dma_semaphore, #tpu.memory_space<semaphore_mem>>) src(%arg16 : memref<40x128xf32, #tpu.memory_space<vmem>>) dst(%dma_wait3A_438 : memref<10240x128xf32, #tpu.memory_space<vmem_shared>>)
        tpu.yield
      }) : () -> ()
      %add3A_279 = arith.constant 7 : i32
      %add3A_280 = arith.addi %add3A_264, %add3A_279 : i32
      %min3A_281 = arith.constant 249 : i32
      %min3A_282 = arith.minsi %add3A_280, %min3A_281 : i32
      %mul3A_283 = arith.constant 40 : i32
      %mul3A_284 = arith.muli %min3A_282, %mul3A_283 : i32
      %dma_start3A_285 = tpu.memref_slice %arg6[%mul3A_284] : memref<10000xi32, #tpu.memory_space<vmem>> -> memref<40xi32, #tpu.memory_space<vmem>>
      %dma_start3A_286 = arith.constant 0 : i32
      %dma_start3A_287 = arith.constant 0 : i32
      %dma_start3A_288 = tpu.memref_slice %arg2[%dma_start3A_286, %dma_start3A_287] : memref<10000x128xf32, #tpu.memory_space<hbm>> -> memref<10000x128xf32, #tpu.memory_space<hbm>>
      tpu.enqueue_indirect_dma source(%dma_start3A_288 : memref<10000x128xf32, #tpu.memory_space<hbm>>) target(%arg16 : memref<40x128xf32, #tpu.memory_space<vmem>>) offsets(%dma_start3A_285 : memref<40xi32, #tpu.memory_space<vmem>>) semaphore(%arg23 : memref<!tpu.dma_semaphore, #tpu.memory_space<semaphore_mem>>)
      %mul3A_289 = arith.constant 40 : i32
      %mul3A_290 = arith.muli %min3A_282, %mul3A_289 : i32
      %add3A_291 = arith.addi %mul3A_10, %mul3A_290 : i32
      %multiple_of3A_292 = tpu.assume_multiple %add3A_291, 8 : i32
      %add3A_293 = arith.constant 320000 : i32
      %add3A_294 = arith.addi %add3A_293, %multiple_of3A_292 : i32
      %dma_start3A_295 = tpu.memref_slice %arg3[%add3A_294] : memref<640000xi32, #tpu.memory_space<hbm>> -> memref<40xi32, #tpu.memory_space<hbm>>
      %dma_start3A_296 = tpu.memref_slice %arg3[%add3A_294] : memref<640000xi32, #tpu.memory_space<hbm>> -> memref<40xi32, #tpu.memory_space<hbm>>
      tpu.enqueue_dma source(%dma_start3A_296 : memref<40xi32, #tpu.memory_space<hbm>>) target(%arg9 : memref<40xi32, #tpu.memory_space<vmem>>) target_semaphore(%arg30 : memref<!tpu.dma_semaphore, #tpu.memory_space<semaphore_mem>>)
      %add3A_297 = arith.constant 3 : i32
      %add3A_298 = arith.addi %mul3A_195, %add3A_297 : i32
      %mul3A_299 = arith.constant 40 : i32
      %mul3A_300 = arith.muli %add3A_298, %mul3A_299 : i32
      %dma_wait3A_301 = tpu.memref_slice %arg6[%mul3A_300] : memref<10000xi32, #tpu.memory_space<vmem>> -> memref<40xi32, #tpu.memory_space<vmem>>
      %dma_wait3A_302 = arith.constant 0 : i32
      %dma_wait3A_303 = arith.constant 0 : i32
      %dma_wait3A_304 = tpu.memref_slice %arg2[%dma_wait3A_302, %dma_wait3A_303] : memref<10000x128xf32, #tpu.memory_space<hbm>> -> memref<10000x128xf32, #tpu.memory_space<hbm>>
      tpu.wait_indirect_dma semaphore(%arg24 : memref<!tpu.dma_semaphore, #tpu.memory_space<semaphore_mem>>) src(%dma_wait3A_304 : memref<10000x128xf32, #tpu.memory_space<hbm>>) dst(%arg17 : memref<40x128xf32, #tpu.memory_space<vmem>>)
      %mul3A_305 = arith.constant 40 : i32
      %mul3A_306 = arith.muli %add3A_298, %mul3A_305 : i32
      %add3A_307 = arith.addi %mul3A_10, %mul3A_306 : i32
      %multiple_of3A_308 = tpu.assume_multiple %add3A_307, 8 : i32
      %add3A_309 = arith.constant 320000 : i32
      %add3A_310 = arith.addi %add3A_309, %multiple_of3A_308 : i32
      %dma_wait3A_311 = tpu.memref_slice %arg3[%add3A_310] : memref<640000xi32, #tpu.memory_space<hbm>> -> memref<40xi32, #tpu.memory_space<hbm>>
      %dma_wait3A_312 = tpu.memref_slice %arg3[%add3A_310] : memref<640000xi32, #tpu.memory_space<hbm>> -> memref<40xi32, #tpu.memory_space<hbm>>
      tpu.wait_dma2 semaphore(%arg31 : memref<!tpu.dma_semaphore, #tpu.memory_space<semaphore_mem>>) src(%dma_wait3A_312 : memref<40xi32, #tpu.memory_space<hbm>>) dst(%arg10 : memref<40xi32, #tpu.memory_space<vmem>>)
      "tpu.region"() ({
        %run_scoped3A = tpu.sem_alloc : memref<!tpu.dma_semaphore, #tpu.memory_space<semaphore_mem>>
        %dma_start3A_433 = arith.constant 0 : i32
        %dma_start3A_434 = arith.constant 0 : i32
        %dma_start3A_435 = tpu.memref_slice %arg5[%dma_start3A_433, %dma_start3A_434] : memref<10240x128xf32, #tpu.memory_space<vmem_shared>> -> memref<10240x128xf32, #tpu.memory_space<vmem_shared>>
        tpu.enqueue_indirect_dma source(%arg17 : memref<40x128xf32, #tpu.memory_space<vmem>>) target(%dma_start3A_435 : memref<10240x128xf32, #tpu.memory_space<vmem_shared>>) offsets(%arg10 : memref<40xi32, #tpu.memory_space<vmem>>) semaphore(%run_scoped3A : memref<!tpu.dma_semaphore, #tpu.memory_space<semaphore_mem>>) {add = true}
        %dma_wait3A_436 = arith.constant 0 : i32
        %dma_wait3A_437 = arith.constant 0 : i32
        %dma_wait3A_438 = tpu.memref_slice %arg5[%dma_wait3A_436, %dma_wait3A_437] : memref<10240x128xf32, #tpu.memory_space<vmem_shared>> -> memref<10240x128xf32, #tpu.memory_space<vmem_shared>>
        tpu.wait_indirect_dma semaphore(%run_scoped3A : memref<!tpu.dma_semaphore, #tpu.memory_space<semaphore_mem>>) src(%arg17 : memref<40x128xf32, #tpu.memory_space<vmem>>) dst(%dma_wait3A_438 : memref<10240x128xf32, #tpu.memory_space<vmem_shared>>)
        tpu.yield
      }) : () -> ()
      %add3A_313 = arith.constant 7 : i32
      %add3A_314 = arith.addi %add3A_298, %add3A_313 : i32
      %min3A_315 = arith.constant 249 : i32
      %min3A_316 = arith.minsi %add3A_314, %min3A_315 : i32
      %mul3A_317 = arith.constant 40 : i32
      %mul3A_318 = arith.muli %min3A_316, %mul3A_317 : i32
      %dma_start3A_319 = tpu.memref_slice %arg6[%mul3A_318] : memref<10000xi32, #tpu.memory_space<vmem>> -> memref<40xi32, #tpu.memory_space<vmem>>
      %dma_start3A_320 = arith.constant 0 : i32
      %dma_start3A_321 = arith.constant 0 : i32
      %dma_start3A_322 = tpu.memref_slice %arg2[%dma_start3A_320, %dma_start3A_321] : memref<10000x128xf32, #tpu.memory_space<hbm>> -> memref<10000x128xf32, #tpu.memory_space<hbm>>
      tpu.enqueue_indirect_dma source(%dma_start3A_322 : memref<10000x128xf32, #tpu.memory_space<hbm>>) target(%arg17 : memref<40x128xf32, #tpu.memory_space<vmem>>) offsets(%dma_start3A_319 : memref<40xi32, #tpu.memory_space<vmem>>) semaphore(%arg24 : memref<!tpu.dma_semaphore, #tpu.memory_space<semaphore_mem>>)
      %mul3A_323 = arith.constant 40 : i32
      %mul3A_324 = arith.muli %min3A_316, %mul3A_323 : i32
      %add3A_325 = arith.addi %mul3A_10, %mul3A_324 : i32
      %multiple_of3A_326 = tpu.assume_multiple %add3A_325, 8 : i32
      %add3A_327 = arith.constant 320000 : i32
      %add3A_328 = arith.addi %add3A_327, %multiple_of3A_326 : i32
      %dma_start3A_329 = tpu.memref_slice %arg3[%add3A_328] : memref<640000xi32, #tpu.memory_space<hbm>> -> memref<40xi32, #tpu.memory_space<hbm>>
      %dma_start3A_330 = tpu.memref_slice %arg3[%add3A_328] : memref<640000xi32, #tpu.memory_space<hbm>> -> memref<40xi32, #tpu.memory_space<hbm>>
      tpu.enqueue_dma source(%dma_start3A_330 : memref<40xi32, #tpu.memory_space<hbm>>) target(%arg10 : memref<40xi32, #tpu.memory_space<vmem>>) target_semaphore(%arg31 : memref<!tpu.dma_semaphore, #tpu.memory_space<semaphore_mem>>)
      %add3A_331 = arith.constant 4 : i32
      %add3A_332 = arith.addi %mul3A_195, %add3A_331 : i32
      %mul3A_333 = arith.constant 40 : i32
      %mul3A_334 = arith.muli %add3A_332, %mul3A_333 : i32
      %dma_wait3A_335 = tpu.memref_slice %arg6[%mul3A_334] : memref<10000xi32, #tpu.memory_space<vmem>> -> memref<40xi32, #tpu.memory_space<vmem>>
      %dma_wait3A_336 = arith.constant 0 : i32
      %dma_wait3A_337 = arith.constant 0 : i32
      %dma_wait3A_338 = tpu.memref_slice %arg2[%dma_wait3A_336, %dma_wait3A_337] : memref<10000x128xf32, #tpu.memory_space<hbm>> -> memref<10000x128xf32, #tpu.memory_space<hbm>>
      tpu.wait_indirect_dma semaphore(%arg25 : memref<!tpu.dma_semaphore, #tpu.memory_space<semaphore_mem>>) src(%dma_wait3A_338 : memref<10000x128xf32, #tpu.memory_space<hbm>>) dst(%arg18 : memref<40x128xf32, #tpu.memory_space<vmem>>)
      %mul3A_339 = arith.constant 40 : i32
      %mul3A_340 = arith.muli %add3A_332, %mul3A_339 : i32
      %add3A_341 = arith.addi %mul3A_10, %mul3A_340 : i32
      %multiple_of3A_342 = tpu.assume_multiple %add3A_341, 8 : i32
      %add3A_343 = arith.constant 320000 : i32
      %add3A_344 = arith.addi %add3A_343, %multiple_of3A_342 : i32
      %dma_wait3A_345 = tpu.memref_slice %arg3[%add3A_344] : memref<640000xi32, #tpu.memory_space<hbm>> -> memref<40xi32, #tpu.memory_space<hbm>>
      %dma_wait3A_346 = tpu.memref_slice %arg3[%add3A_344] : memref<640000xi32, #tpu.memory_space<hbm>> -> memref<40xi32, #tpu.memory_space<hbm>>
      tpu.wait_dma2 semaphore(%arg32 : memref<!tpu.dma_semaphore, #tpu.memory_space<semaphore_mem>>) src(%dma_wait3A_346 : memref<40xi32, #tpu.memory_space<hbm>>) dst(%arg11 : memref<40xi32, #tpu.memory_space<vmem>>)
      "tpu.region"() ({
        %run_scoped3A = tpu.sem_alloc : memref<!tpu.dma_semaphore, #tpu.memory_space<semaphore_mem>>
        %dma_start3A_433 = arith.constant 0 : i32
        %dma_start3A_434 = arith.constant 0 : i32
        %dma_start3A_435 = tpu.memref_slice %arg5[%dma_start3A_433, %dma_start3A_434] : memref<10240x128xf32, #tpu.memory_space<vmem_shared>> -> memref<10240x128xf32, #tpu.memory_space<vmem_shared>>
        tpu.enqueue_indirect_dma source(%arg18 : memref<40x128xf32, #tpu.memory_space<vmem>>) target(%dma_start3A_435 : memref<10240x128xf32, #tpu.memory_space<vmem_shared>>) offsets(%arg11 : memref<40xi32, #tpu.memory_space<vmem>>) semaphore(%run_scoped3A : memref<!tpu.dma_semaphore, #tpu.memory_space<semaphore_mem>>) {add = true}
        %dma_wait3A_436 = arith.constant 0 : i32
        %dma_wait3A_437 = arith.constant 0 : i32
        %dma_wait3A_438 = tpu.memref_slice %arg5[%dma_wait3A_436, %dma_wait3A_437] : memref<10240x128xf32, #tpu.memory_space<vmem_shared>> -> memref<10240x128xf32, #tpu.memory_space<vmem_shared>>
        tpu.wait_indirect_dma semaphore(%run_scoped3A : memref<!tpu.dma_semaphore, #tpu.memory_space<semaphore_mem>>) src(%arg18 : memref<40x128xf32, #tpu.memory_space<vmem>>) dst(%dma_wait3A_438 : memref<10240x128xf32, #tpu.memory_space<vmem_shared>>)
        tpu.yield
      }) : () -> ()
      %add3A_347 = arith.constant 7 : i32
      %add3A_348 = arith.addi %add3A_332, %add3A_347 : i32
      %min3A_349 = arith.constant 249 : i32
      %min3A_350 = arith.minsi %add3A_348, %min3A_349 : i32
      %mul3A_351 = arith.constant 40 : i32
      %mul3A_352 = arith.muli %min3A_350, %mul3A_351 : i32
      %dma_start3A_353 = tpu.memref_slice %arg6[%mul3A_352] : memref<10000xi32, #tpu.memory_space<vmem>> -> memref<40xi32, #tpu.memory_space<vmem>>
      %dma_start3A_354 = arith.constant 0 : i32
      %dma_start3A_355 = arith.constant 0 : i32
      %dma_start3A_356 = tpu.memref_slice %arg2[%dma_start3A_354, %dma_start3A_355] : memref<10000x128xf32, #tpu.memory_space<hbm>> -> memref<10000x128xf32, #tpu.memory_space<hbm>>
      tpu.enqueue_indirect_dma source(%dma_start3A_356 : memref<10000x128xf32, #tpu.memory_space<hbm>>) target(%arg18 : memref<40x128xf32, #tpu.memory_space<vmem>>) offsets(%dma_start3A_353 : memref<40xi32, #tpu.memory_space<vmem>>) semaphore(%arg25 : memref<!tpu.dma_semaphore, #tpu.memory_space<semaphore_mem>>)
      %mul3A_357 = arith.constant 40 : i32
      %mul3A_358 = arith.muli %min3A_350, %mul3A_357 : i32
      %add3A_359 = arith.addi %mul3A_10, %mul3A_358 : i32
      %multiple_of3A_360 = tpu.assume_multiple %add3A_359, 8 : i32
      %add3A_361 = arith.constant 320000 : i32
      %add3A_362 = arith.addi %add3A_361, %multiple_of3A_360 : i32
      %dma_start3A_363 = tpu.memref_slice %arg3[%add3A_362] : memref<640000xi32, #tpu.memory_space<hbm>> -> memref<40xi32, #tpu.memory_space<hbm>>
      %dma_start3A_364 = tpu.memref_slice %arg3[%add3A_362] : memref<640000xi32, #tpu.memory_space<hbm>> -> memref<40xi32, #tpu.memory_space<hbm>>
      tpu.enqueue_dma source(%dma_start3A_364 : memref<40xi32, #tpu.memory_space<hbm>>) target(%arg11 : memref<40xi32, #tpu.memory_space<vmem>>) target_semaphore(%arg32 : memref<!tpu.dma_semaphore, #tpu.memory_space<semaphore_mem>>)
      %add3A_365 = arith.constant 5 : i32
      %add3A_366 = arith.addi %mul3A_195, %add3A_365 : i32
      %mul3A_367 = arith.constant 40 : i32
      %mul3A_368 = arith.muli %add3A_366, %mul3A_367 : i32
      %dma_wait3A_369 = tpu.memref_slice %arg6[%mul3A_368] : memref<10000xi32, #tpu.memory_space<vmem>> -> memref<40xi32, #tpu.memory_space<vmem>>
      %dma_wait3A_370 = arith.constant 0 : i32
      %dma_wait3A_371 = arith.constant 0 : i32
      %dma_wait3A_372 = tpu.memref_slice %arg2[%dma_wait3A_370, %dma_wait3A_371] : memref<10000x128xf32, #tpu.memory_space<hbm>> -> memref<10000x128xf32, #tpu.memory_space<hbm>>
      tpu.wait_indirect_dma semaphore(%arg26 : memref<!tpu.dma_semaphore, #tpu.memory_space<semaphore_mem>>) src(%dma_wait3A_372 : memref<10000x128xf32, #tpu.memory_space<hbm>>) dst(%arg19 : memref<40x128xf32, #tpu.memory_space<vmem>>)
      %mul3A_373 = arith.constant 40 : i32
      %mul3A_374 = arith.muli %add3A_366, %mul3A_373 : i32
      %add3A_375 = arith.addi %mul3A_10, %mul3A_374 : i32
      %multiple_of3A_376 = tpu.assume_multiple %add3A_375, 8 : i32
      %add3A_377 = arith.constant 320000 : i32
      %add3A_378 = arith.addi %add3A_377, %multiple_of3A_376 : i32
      %dma_wait3A_379 = tpu.memref_slice %arg3[%add3A_378] : memref<640000xi32, #tpu.memory_space<hbm>> -> memref<40xi32, #tpu.memory_space<hbm>>
      %dma_wait3A_380 = tpu.memref_slice %arg3[%add3A_378] : memref<640000xi32, #tpu.memory_space<hbm>> -> memref<40xi32, #tpu.memory_space<hbm>>
      tpu.wait_dma2 semaphore(%arg33 : memref<!tpu.dma_semaphore, #tpu.memory_space<semaphore_mem>>) src(%dma_wait3A_380 : memref<40xi32, #tpu.memory_space<hbm>>) dst(%arg12 : memref<40xi32, #tpu.memory_space<vmem>>)
      "tpu.region"() ({
        %run_scoped3A = tpu.sem_alloc : memref<!tpu.dma_semaphore, #tpu.memory_space<semaphore_mem>>
        %dma_start3A_433 = arith.constant 0 : i32
        %dma_start3A_434 = arith.constant 0 : i32
        %dma_start3A_435 = tpu.memref_slice %arg5[%dma_start3A_433, %dma_start3A_434] : memref<10240x128xf32, #tpu.memory_space<vmem_shared>> -> memref<10240x128xf32, #tpu.memory_space<vmem_shared>>
        tpu.enqueue_indirect_dma source(%arg19 : memref<40x128xf32, #tpu.memory_space<vmem>>) target(%dma_start3A_435 : memref<10240x128xf32, #tpu.memory_space<vmem_shared>>) offsets(%arg12 : memref<40xi32, #tpu.memory_space<vmem>>) semaphore(%run_scoped3A : memref<!tpu.dma_semaphore, #tpu.memory_space<semaphore_mem>>) {add = true}
        %dma_wait3A_436 = arith.constant 0 : i32
        %dma_wait3A_437 = arith.constant 0 : i32
        %dma_wait3A_438 = tpu.memref_slice %arg5[%dma_wait3A_436, %dma_wait3A_437] : memref<10240x128xf32, #tpu.memory_space<vmem_shared>> -> memref<10240x128xf32, #tpu.memory_space<vmem_shared>>
        tpu.wait_indirect_dma semaphore(%run_scoped3A : memref<!tpu.dma_semaphore, #tpu.memory_space<semaphore_mem>>) src(%arg19 : memref<40x128xf32, #tpu.memory_space<vmem>>) dst(%dma_wait3A_438 : memref<10240x128xf32, #tpu.memory_space<vmem_shared>>)
        tpu.yield
      }) : () -> ()
      %add3A_381 = arith.constant 7 : i32
      %add3A_382 = arith.addi %add3A_366, %add3A_381 : i32
      %min3A_383 = arith.constant 249 : i32
      %min3A_384 = arith.minsi %add3A_382, %min3A_383 : i32
      %mul3A_385 = arith.constant 40 : i32
      %mul3A_386 = arith.muli %min3A_384, %mul3A_385 : i32
      %dma_start3A_387 = tpu.memref_slice %arg6[%mul3A_386] : memref<10000xi32, #tpu.memory_space<vmem>> -> memref<40xi32, #tpu.memory_space<vmem>>
      %dma_start3A_388 = arith.constant 0 : i32
      %dma_start3A_389 = arith.constant 0 : i32
      %dma_start3A_390 = tpu.memref_slice %arg2[%dma_start3A_388, %dma_start3A_389] : memref<10000x128xf32, #tpu.memory_space<hbm>> -> memref<10000x128xf32, #tpu.memory_space<hbm>>
      tpu.enqueue_indirect_dma source(%dma_start3A_390 : memref<10000x128xf32, #tpu.memory_space<hbm>>) target(%arg19 : memref<40x128xf32, #tpu.memory_space<vmem>>) offsets(%dma_start3A_387 : memref<40xi32, #tpu.memory_space<vmem>>) semaphore(%arg26 : memref<!tpu.dma_semaphore, #tpu.memory_space<semaphore_mem>>)
      %mul3A_391 = arith.constant 40 : i32
      %mul3A_392 = arith.muli %min3A_384, %mul3A_391 : i32
      %add3A_393 = arith.addi %mul3A_10, %mul3A_392 : i32
      %multiple_of3A_394 = tpu.assume_multiple %add3A_393, 8 : i32
      %add3A_395 = arith.constant 320000 : i32
      %add3A_396 = arith.addi %add3A_395, %multiple_of3A_394 : i32
      %dma_start3A_397 = tpu.memref_slice %arg3[%add3A_396] : memref<640000xi32, #tpu.memory_space<hbm>> -> memref<40xi32, #tpu.memory_space<hbm>>
      %dma_start3A_398 = tpu.memref_slice %arg3[%add3A_396] : memref<640000xi32, #tpu.memory_space<hbm>> -> memref<40xi32, #tpu.memory_space<hbm>>
      tpu.enqueue_dma source(%dma_start3A_398 : memref<40xi32, #tpu.memory_space<hbm>>) target(%arg12 : memref<40xi32, #tpu.memory_space<vmem>>) target_semaphore(%arg33 : memref<!tpu.dma_semaphore, #tpu.memory_space<semaphore_mem>>)
      %add3A_399 = arith.constant 6 : i32
      %add3A_400 = arith.addi %mul3A_195, %add3A_399 : i32
      %mul3A_401 = arith.constant 40 : i32
      %mul3A_402 = arith.muli %add3A_400, %mul3A_401 : i32
      %dma_wait3A_403 = tpu.memref_slice %arg6[%mul3A_402] : memref<10000xi32, #tpu.memory_space<vmem>> -> memref<40xi32, #tpu.memory_space<vmem>>
      %dma_wait3A_404 = arith.constant 0 : i32
      %dma_wait3A_405 = arith.constant 0 : i32
      %dma_wait3A_406 = tpu.memref_slice %arg2[%dma_wait3A_404, %dma_wait3A_405] : memref<10000x128xf32, #tpu.memory_space<hbm>> -> memref<10000x128xf32, #tpu.memory_space<hbm>>
      tpu.wait_indirect_dma semaphore(%arg27 : memref<!tpu.dma_semaphore, #tpu.memory_space<semaphore_mem>>) src(%dma_wait3A_406 : memref<10000x128xf32, #tpu.memory_space<hbm>>) dst(%arg20 : memref<40x128xf32, #tpu.memory_space<vmem>>)
      %mul3A_407 = arith.constant 40 : i32
      %mul3A_408 = arith.muli %add3A_400, %mul3A_407 : i32
      %add3A_409 = arith.addi %mul3A_10, %mul3A_408 : i32
      %multiple_of3A_410 = tpu.assume_multiple %add3A_409, 8 : i32
      %add3A_411 = arith.constant 320000 : i32
      %add3A_412 = arith.addi %add3A_411, %multiple_of3A_410 : i32
      %dma_wait3A_413 = tpu.memref_slice %arg3[%add3A_412] : memref<640000xi32, #tpu.memory_space<hbm>> -> memref<40xi32, #tpu.memory_space<hbm>>
      %dma_wait3A_414 = tpu.memref_slice %arg3[%add3A_412] : memref<640000xi32, #tpu.memory_space<hbm>> -> memref<40xi32, #tpu.memory_space<hbm>>
      tpu.wait_dma2 semaphore(%arg34 : memref<!tpu.dma_semaphore, #tpu.memory_space<semaphore_mem>>) src(%dma_wait3A_414 : memref<40xi32, #tpu.memory_space<hbm>>) dst(%arg13 : memref<40xi32, #tpu.memory_space<vmem>>)
      "tpu.region"() ({
        %run_scoped3A = tpu.sem_alloc : memref<!tpu.dma_semaphore, #tpu.memory_space<semaphore_mem>>
        %dma_start3A_433 = arith.constant 0 : i32
        %dma_start3A_434 = arith.constant 0 : i32
        %dma_start3A_435 = tpu.memref_slice %arg5[%dma_start3A_433, %dma_start3A_434] : memref<10240x128xf32, #tpu.memory_space<vmem_shared>> -> memref<10240x128xf32, #tpu.memory_space<vmem_shared>>
        tpu.enqueue_indirect_dma source(%arg20 : memref<40x128xf32, #tpu.memory_space<vmem>>) target(%dma_start3A_435 : memref<10240x128xf32, #tpu.memory_space<vmem_shared>>) offsets(%arg13 : memref<40xi32, #tpu.memory_space<vmem>>) semaphore(%run_scoped3A : memref<!tpu.dma_semaphore, #tpu.memory_space<semaphore_mem>>) {add = true}
        %dma_wait3A_436 = arith.constant 0 : i32
        %dma_wait3A_437 = arith.constant 0 : i32
        %dma_wait3A_438 = tpu.memref_slice %arg5[%dma_wait3A_436, %dma_wait3A_437] : memref<10240x128xf32, #tpu.memory_space<vmem_shared>> -> memref<10240x128xf32, #tpu.memory_space<vmem_shared>>
        tpu.wait_indirect_dma semaphore(%run_scoped3A : memref<!tpu.dma_semaphore, #tpu.memory_space<semaphore_mem>>) src(%arg20 : memref<40x128xf32, #tpu.memory_space<vmem>>) dst(%dma_wait3A_438 : memref<10240x128xf32, #tpu.memory_space<vmem_shared>>)
        tpu.yield
      }) : () -> ()
      %add3A_415 = arith.constant 7 : i32
      %add3A_416 = arith.addi %add3A_400, %add3A_415 : i32
      %min3A_417 = arith.constant 249 : i32
      %min3A_418 = arith.minsi %add3A_416, %min3A_417 : i32
      %mul3A_419 = arith.constant 40 : i32
      %mul3A_420 = arith.muli %min3A_418, %mul3A_419 : i32
      %dma_start3A_421 = tpu.memref_slice %arg6[%mul3A_420] : memref<10000xi32, #tpu.memory_space<vmem>> -> memref<40xi32, #tpu.memory_space<vmem>>
      %dma_start3A_422 = arith.constant 0 : i32
      %dma_start3A_423 = arith.constant 0 : i32
      %dma_start3A_424 = tpu.memref_slice %arg2[%dma_start3A_422, %dma_start3A_423] : memref<10000x128xf32, #tpu.memory_space<hbm>> -> memref<10000x128xf32, #tpu.memory_space<hbm>>
      tpu.enqueue_indirect_dma source(%dma_start3A_424 : memref<10000x128xf32, #tpu.memory_space<hbm>>) target(%arg20 : memref<40x128xf32, #tpu.memory_space<vmem>>) offsets(%dma_start3A_421 : memref<40xi32, #tpu.memory_space<vmem>>) semaphore(%arg27 : memref<!tpu.dma_semaphore, #tpu.memory_space<semaphore_mem>>)
      %mul3A_425 = arith.constant 40 : i32
      %mul3A_426 = arith.muli %min3A_418, %mul3A_425 : i32
      %add3A_427 = arith.addi %mul3A_10, %mul3A_426 : i32
      %multiple_of3A_428 = tpu.assume_multiple %add3A_427, 8 : i32
      %add3A_429 = arith.constant 320000 : i32
      %add3A_430 = arith.addi %add3A_429, %multiple_of3A_428 : i32
      %dma_start3A_431 = tpu.memref_slice %arg3[%add3A_430] : memref<640000xi32, #tpu.memory_space<hbm>> -> memref<40xi32, #tpu.memory_space<hbm>>
      %dma_start3A_432 = tpu.memref_slice %arg3[%add3A_430] : memref<640000xi32, #tpu.memory_space<hbm>> -> memref<40xi32, #tpu.memory_space<hbm>>
      tpu.enqueue_dma source(%dma_start3A_432 : memref<40xi32, #tpu.memory_space<hbm>>) target(%arg13 : memref<40xi32, #tpu.memory_space<vmem>>) target_semaphore(%arg34 : memref<!tpu.dma_semaphore, #tpu.memory_space<semaphore_mem>>)
    }
    %scan3A_98 = arith.constant 35 : i32
    %dma_wait3A = arith.constant 9800 : i32
    %dma_wait3A_99 = tpu.memref_slice %arg6[%dma_wait3A] : memref<10000xi32, #tpu.memory_space<vmem>> -> memref<40xi32, #tpu.memory_space<vmem>>
    %dma_wait3A_100 = arith.constant 0 : i32
    %dma_wait3A_101 = arith.constant 0 : i32
    %dma_wait3A_102 = tpu.memref_slice %arg2[%dma_wait3A_100, %dma_wait3A_101] : memref<10000x128xf32, #tpu.memory_space<hbm>> -> memref<10000x128xf32, #tpu.memory_space<hbm>>
    tpu.wait_indirect_dma semaphore(%arg21 : memref<!tpu.dma_semaphore, #tpu.memory_space<semaphore_mem>>) src(%dma_wait3A_102 : memref<10000x128xf32, #tpu.memory_space<hbm>>) dst(%arg14 : memref<40x128xf32, #tpu.memory_space<vmem>>)
    %add3A_103 = arith.constant 9800 : i32
    %add3A_104 = arith.addi %mul3A_10, %add3A_103 : i32
    %multiple_of3A_105 = tpu.assume_multiple %add3A_104, 8 : i32
    %add3A_106 = arith.constant 320000 : i32
    %add3A_107 = arith.addi %add3A_106, %multiple_of3A_105 : i32
    %dma_wait3A_108 = tpu.memref_slice %arg3[%add3A_107] : memref<640000xi32, #tpu.memory_space<hbm>> -> memref<40xi32, #tpu.memory_space<hbm>>
    %dma_wait3A_109 = tpu.memref_slice %arg3[%add3A_107] : memref<640000xi32, #tpu.memory_space<hbm>> -> memref<40xi32, #tpu.memory_space<hbm>>
    tpu.wait_dma2 semaphore(%arg28 : memref<!tpu.dma_semaphore, #tpu.memory_space<semaphore_mem>>) src(%dma_wait3A_109 : memref<40xi32, #tpu.memory_space<hbm>>) dst(%arg7 : memref<40xi32, #tpu.memory_space<vmem>>)
    "tpu.region"() ({
      %run_scoped3A = tpu.sem_alloc : memref<!tpu.dma_semaphore, #tpu.memory_space<semaphore_mem>>
      %dma_start3A_193 = arith.constant 0 : i32
      %dma_start3A_194 = arith.constant 0 : i32
      %dma_start3A_195 = tpu.memref_slice %arg5[%dma_start3A_193, %dma_start3A_194] : memref<10240x128xf32, #tpu.memory_space<vmem_shared>> -> memref<10240x128xf32, #tpu.memory_space<vmem_shared>>
      tpu.enqueue_indirect_dma source(%arg14 : memref<40x128xf32, #tpu.memory_space<vmem>>) target(%dma_start3A_195 : memref<10240x128xf32, #tpu.memory_space<vmem_shared>>) offsets(%arg7 : memref<40xi32, #tpu.memory_space<vmem>>) semaphore(%run_scoped3A : memref<!tpu.dma_semaphore, #tpu.memory_space<semaphore_mem>>) {add = true}
      %dma_wait3A_196 = arith.constant 0 : i32
      %dma_wait3A_197 = arith.constant 0 : i32
      %dma_wait3A_198 = tpu.memref_slice %arg5[%dma_wait3A_196, %dma_wait3A_197] : memref<10240x128xf32, #tpu.memory_space<vmem_shared>> -> memref<10240x128xf32, #tpu.memory_space<vmem_shared>>
      tpu.wait_indirect_dma semaphore(%run_scoped3A : memref<!tpu.dma_semaphore, #tpu.memory_space<semaphore_mem>>) src(%arg14 : memref<40x128xf32, #tpu.memory_space<vmem>>) dst(%dma_wait3A_198 : memref<10240x128xf32, #tpu.memory_space<vmem_shared>>)
      tpu.yield
    }) : () -> ()
    %dma_wait3A_110 = arith.constant 9840 : i32
    %dma_wait3A_111 = tpu.memref_slice %arg6[%dma_wait3A_110] : memref<10000xi32, #tpu.memory_space<vmem>> -> memref<40xi32, #tpu.memory_space<vmem>>
    %dma_wait3A_112 = arith.constant 0 : i32
    %dma_wait3A_113 = arith.constant 0 : i32
    %dma_wait3A_114 = tpu.memref_slice %arg2[%dma_wait3A_112, %dma_wait3A_113] : memref<10000x128xf32, #tpu.memory_space<hbm>> -> memref<10000x128xf32, #tpu.memory_space<hbm>>
    tpu.wait_indirect_dma semaphore(%arg22 : memref<!tpu.dma_semaphore, #tpu.memory_space<semaphore_mem>>) src(%dma_wait3A_114 : memref<10000x128xf32, #tpu.memory_space<hbm>>) dst(%arg15 : memref<40x128xf32, #tpu.memory_space<vmem>>)
    %add3A_115 = arith.constant 9840 : i32
    %add3A_116 = arith.addi %mul3A_10, %add3A_115 : i32
    %multiple_of3A_117 = tpu.assume_multiple %add3A_116, 8 : i32
    %add3A_118 = arith.constant 320000 : i32
    %add3A_119 = arith.addi %add3A_118, %multiple_of3A_117 : i32
    %dma_wait3A_120 = tpu.memref_slice %arg3[%add3A_119] : memref<640000xi32, #tpu.memory_space<hbm>> -> memref<40xi32, #tpu.memory_space<hbm>>
    %dma_wait3A_121 = tpu.memref_slice %arg3[%add3A_119] : memref<640000xi32, #tpu.memory_space<hbm>> -> memref<40xi32, #tpu.memory_space<hbm>>
    tpu.wait_dma2 semaphore(%arg29 : memref<!tpu.dma_semaphore, #tpu.memory_space<semaphore_mem>>) src(%dma_wait3A_121 : memref<40xi32, #tpu.memory_space<hbm>>) dst(%arg8 : memref<40xi32, #tpu.memory_space<vmem>>)
    "tpu.region"() ({
      %run_scoped3A = tpu.sem_alloc : memref<!tpu.dma_semaphore, #tpu.memory_space<semaphore_mem>>
      %dma_start3A_193 = arith.constant 0 : i32
      %dma_start3A_194 = arith.constant 0 : i32
      %dma_start3A_195 = tpu.memref_slice %arg5[%dma_start3A_193, %dma_start3A_194] : memref<10240x128xf32, #tpu.memory_space<vmem_shared>> -> memref<10240x128xf32, #tpu.memory_space<vmem_shared>>
      tpu.enqueue_indirect_dma source(%arg15 : memref<40x128xf32, #tpu.memory_space<vmem>>) target(%dma_start3A_195 : memref<10240x128xf32, #tpu.memory_space<vmem_shared>>) offsets(%arg8 : memref<40xi32, #tpu.memory_space<vmem>>) semaphore(%run_scoped3A : memref<!tpu.dma_semaphore, #tpu.memory_space<semaphore_mem>>) {add = true}
      %dma_wait3A_196 = arith.constant 0 : i32
      %dma_wait3A_197 = arith.constant 0 : i32
      %dma_wait3A_198 = tpu.memref_slice %arg5[%dma_wait3A_196, %dma_wait3A_197] : memref<10240x128xf32, #tpu.memory_space<vmem_shared>> -> memref<10240x128xf32, #tpu.memory_space<vmem_shared>>
      tpu.wait_indirect_dma semaphore(%run_scoped3A : memref<!tpu.dma_semaphore, #tpu.memory_space<semaphore_mem>>) src(%arg15 : memref<40x128xf32, #tpu.memory_space<vmem>>) dst(%dma_wait3A_198 : memref<10240x128xf32, #tpu.memory_space<vmem_shared>>)
      tpu.yield
    }) : () -> ()
    %dma_wait3A_122 = arith.constant 9880 : i32
    %dma_wait3A_123 = tpu.memref_slice %arg6[%dma_wait3A_122] : memref<10000xi32, #tpu.memory_space<vmem>> -> memref<40xi32, #tpu.memory_space<vmem>>
    %dma_wait3A_124 = arith.constant 0 : i32
    %dma_wait3A_125 = arith.constant 0 : i32
    %dma_wait3A_126 = tpu.memref_slice %arg2[%dma_wait3A_124, %dma_wait3A_125] : memref<10000x128xf32, #tpu.memory_space<hbm>> -> memref<10000x128xf32, #tpu.memory_space<hbm>>
    tpu.wait_indirect_dma semaphore(%arg23 : memref<!tpu.dma_semaphore, #tpu.memory_space<semaphore_mem>>) src(%dma_wait3A_126 : memref<10000x128xf32, #tpu.memory_space<hbm>>) dst(%arg16 : memref<40x128xf32, #tpu.memory_space<vmem>>)
    %add3A_127 = arith.constant 9880 : i32
    %add3A_128 = arith.addi %mul3A_10, %add3A_127 : i32
    %multiple_of3A_129 = tpu.assume_multiple %add3A_128, 8 : i32
    %add3A_130 = arith.constant 320000 : i32
    %add3A_131 = arith.addi %add3A_130, %multiple_of3A_129 : i32
    %dma_wait3A_132 = tpu.memref_slice %arg3[%add3A_131] : memref<640000xi32, #tpu.memory_space<hbm>> -> memref<40xi32, #tpu.memory_space<hbm>>
    %dma_wait3A_133 = tpu.memref_slice %arg3[%add3A_131] : memref<640000xi32, #tpu.memory_space<hbm>> -> memref<40xi32, #tpu.memory_space<hbm>>
    tpu.wait_dma2 semaphore(%arg30 : memref<!tpu.dma_semaphore, #tpu.memory_space<semaphore_mem>>) src(%dma_wait3A_133 : memref<40xi32, #tpu.memory_space<hbm>>) dst(%arg9 : memref<40xi32, #tpu.memory_space<vmem>>)
    "tpu.region"() ({
      %run_scoped3A = tpu.sem_alloc : memref<!tpu.dma_semaphore, #tpu.memory_space<semaphore_mem>>
      %dma_start3A_193 = arith.constant 0 : i32
      %dma_start3A_194 = arith.constant 0 : i32
      %dma_start3A_195 = tpu.memref_slice %arg5[%dma_start3A_193, %dma_start3A_194] : memref<10240x128xf32, #tpu.memory_space<vmem_shared>> -> memref<10240x128xf32, #tpu.memory_space<vmem_shared>>
      tpu.enqueue_indirect_dma source(%arg16 : memref<40x128xf32, #tpu.memory_space<vmem>>) target(%dma_start3A_195 : memref<10240x128xf32, #tpu.memory_space<vmem_shared>>) offsets(%arg9 : memref<40xi32, #tpu.memory_space<vmem>>) semaphore(%run_scoped3A : memref<!tpu.dma_semaphore, #tpu.memory_space<semaphore_mem>>) {add = true}
      %dma_wait3A_196 = arith.constant 0 : i32
      %dma_wait3A_197 = arith.constant 0 : i32
      %dma_wait3A_198 = tpu.memref_slice %arg5[%dma_wait3A_196, %dma_wait3A_197] : memref<10240x128xf32, #tpu.memory_space<vmem_shared>> -> memref<10240x128xf32, #tpu.memory_space<vmem_shared>>
      tpu.wait_indirect_dma semaphore(%run_scoped3A : memref<!tpu.dma_semaphore, #tpu.memory_space<semaphore_mem>>) src(%arg16 : memref<40x128xf32, #tpu.memory_space<vmem>>) dst(%dma_wait3A_198 : memref<10240x128xf32, #tpu.memory_space<vmem_shared>>)
      tpu.yield
    }) : () -> ()
    %dma_wait3A_134 = arith.constant 9920 : i32
    %dma_wait3A_135 = tpu.memref_slice %arg6[%dma_wait3A_134] : memref<10000xi32, #tpu.memory_space<vmem>> -> memref<40xi32, #tpu.memory_space<vmem>>
    %dma_wait3A_136 = arith.constant 0 : i32
    %dma_wait3A_137 = arith.constant 0 : i32
    %dma_wait3A_138 = tpu.memref_slice %arg2[%dma_wait3A_136, %dma_wait3A_137] : memref<10000x128xf32, #tpu.memory_space<hbm>> -> memref<10000x128xf32, #tpu.memory_space<hbm>>
    tpu.wait_indirect_dma semaphore(%arg24 : memref<!tpu.dma_semaphore, #tpu.memory_space<semaphore_mem>>) src(%dma_wait3A_138 : memref<10000x128xf32, #tpu.memory_space<hbm>>) dst(%arg17 : memref<40x128xf32, #tpu.memory_space<vmem>>)
    %add3A_139 = arith.constant 9920 : i32
    %add3A_140 = arith.addi %mul3A_10, %add3A_139 : i32
    %multiple_of3A_141 = tpu.assume_multiple %add3A_140, 8 : i32
    %add3A_142 = arith.constant 320000 : i32
    %add3A_143 = arith.addi %add3A_142, %multiple_of3A_141 : i32
    %dma_wait3A_144 = tpu.memref_slice %arg3[%add3A_143] : memref<640000xi32, #tpu.memory_space<hbm>> -> memref<40xi32, #tpu.memory_space<hbm>>
    %dma_wait3A_145 = tpu.memref_slice %arg3[%add3A_143] : memref<640000xi32, #tpu.memory_space<hbm>> -> memref<40xi32, #tpu.memory_space<hbm>>
    tpu.wait_dma2 semaphore(%arg31 : memref<!tpu.dma_semaphore, #tpu.memory_space<semaphore_mem>>) src(%dma_wait3A_145 : memref<40xi32, #tpu.memory_space<hbm>>) dst(%arg10 : memref<40xi32, #tpu.memory_space<vmem>>)
    "tpu.region"() ({
      %run_scoped3A = tpu.sem_alloc : memref<!tpu.dma_semaphore, #tpu.memory_space<semaphore_mem>>
      %dma_start3A_193 = arith.constant 0 : i32
      %dma_start3A_194 = arith.constant 0 : i32
      %dma_start3A_195 = tpu.memref_slice %arg5[%dma_start3A_193, %dma_start3A_194] : memref<10240x128xf32, #tpu.memory_space<vmem_shared>> -> memref<10240x128xf32, #tpu.memory_space<vmem_shared>>
      tpu.enqueue_indirect_dma source(%arg17 : memref<40x128xf32, #tpu.memory_space<vmem>>) target(%dma_start3A_195 : memref<10240x128xf32, #tpu.memory_space<vmem_shared>>) offsets(%arg10 : memref<40xi32, #tpu.memory_space<vmem>>) semaphore(%run_scoped3A : memref<!tpu.dma_semaphore, #tpu.memory_space<semaphore_mem>>) {add = true}
      %dma_wait3A_196 = arith.constant 0 : i32
      %dma_wait3A_197 = arith.constant 0 : i32
      %dma_wait3A_198 = tpu.memref_slice %arg5[%dma_wait3A_196, %dma_wait3A_197] : memref<10240x128xf32, #tpu.memory_space<vmem_shared>> -> memref<10240x128xf32, #tpu.memory_space<vmem_shared>>
      tpu.wait_indirect_dma semaphore(%run_scoped3A : memref<!tpu.dma_semaphore, #tpu.memory_space<semaphore_mem>>) src(%arg17 : memref<40x128xf32, #tpu.memory_space<vmem>>) dst(%dma_wait3A_198 : memref<10240x128xf32, #tpu.memory_space<vmem_shared>>)
      tpu.yield
    }) : () -> ()
    %dma_wait3A_146 = arith.constant 9960 : i32
    %dma_wait3A_147 = tpu.memref_slice %arg6[%dma_wait3A_146] : memref<10000xi32, #tpu.memory_space<vmem>> -> memref<40xi32, #tpu.memory_space<vmem>>
    %dma_wait3A_148 = arith.constant 0 : i32
    %dma_wait3A_149 = arith.constant 0 : i32
    %dma_wait3A_150 = tpu.memref_slice %arg2[%dma_wait3A_148, %dma_wait3A_149] : memref<10000x128xf32, #tpu.memory_space<hbm>> -> memref<10000x128xf32, #tpu.memory_space<hbm>>
    tpu.wait_indirect_dma semaphore(%arg25 : memref<!tpu.dma_semaphore, #tpu.memory_space<semaphore_mem>>) src(%dma_wait3A_150 : memref<10000x128xf32, #tpu.memory_space<hbm>>) dst(%arg18 : memref<40x128xf32, #tpu.memory_space<vmem>>)
    %add3A_151 = arith.constant 9960 : i32
    %add3A_152 = arith.addi %mul3A_10, %add3A_151 : i32
    %multiple_of3A_153 = tpu.assume_multiple %add3A_152, 8 : i32
    %add3A_154 = arith.constant 320000 : i32
    %add3A_155 = arith.addi %add3A_154, %multiple_of3A_153 : i32
    %dma_wait3A_156 = tpu.memref_slice %arg3[%add3A_155] : memref<640000xi32, #tpu.memory_space<hbm>> -> memref<40xi32, #tpu.memory_space<hbm>>
    %dma_wait3A_157 = tpu.memref_slice %arg3[%add3A_155] : memref<640000xi32, #tpu.memory_space<hbm>> -> memref<40xi32, #tpu.memory_space<hbm>>
    tpu.wait_dma2 semaphore(%arg32 : memref<!tpu.dma_semaphore, #tpu.memory_space<semaphore_mem>>) src(%dma_wait3A_157 : memref<40xi32, #tpu.memory_space<hbm>>) dst(%arg11 : memref<40xi32, #tpu.memory_space<vmem>>)
    "tpu.region"() ({
      %run_scoped3A = tpu.sem_alloc : memref<!tpu.dma_semaphore, #tpu.memory_space<semaphore_mem>>
      %dma_start3A_193 = arith.constant 0 : i32
      %dma_start3A_194 = arith.constant 0 : i32
      %dma_start3A_195 = tpu.memref_slice %arg5[%dma_start3A_193, %dma_start3A_194] : memref<10240x128xf32, #tpu.memory_space<vmem_shared>> -> memref<10240x128xf32, #tpu.memory_space<vmem_shared>>
      tpu.enqueue_indirect_dma source(%arg18 : memref<40x128xf32, #tpu.memory_space<vmem>>) target(%dma_start3A_195 : memref<10240x128xf32, #tpu.memory_space<vmem_shared>>) offsets(%arg11 : memref<40xi32, #tpu.memory_space<vmem>>) semaphore(%run_scoped3A : memref<!tpu.dma_semaphore, #tpu.memory_space<semaphore_mem>>) {add = true}
      %dma_wait3A_196 = arith.constant 0 : i32
      %dma_wait3A_197 = arith.constant 0 : i32
      %dma_wait3A_198 = tpu.memref_slice %arg5[%dma_wait3A_196, %dma_wait3A_197] : memref<10240x128xf32, #tpu.memory_space<vmem_shared>> -> memref<10240x128xf32, #tpu.memory_space<vmem_shared>>
      tpu.wait_indirect_dma semaphore(%run_scoped3A : memref<!tpu.dma_semaphore, #tpu.memory_space<semaphore_mem>>) src(%arg18 : memref<40x128xf32, #tpu.memory_space<vmem>>) dst(%dma_wait3A_198 : memref<10240x128xf32, #tpu.memory_space<vmem_shared>>)
      tpu.yield
    }) : () -> ()
    %dma_wait3A_158 = arith.constant 9960 : i32
    %dma_wait3A_159 = tpu.memref_slice %arg6[%dma_wait3A_158] : memref<10000xi32, #tpu.memory_space<vmem>> -> memref<40xi32, #tpu.memory_space<vmem>>
    %dma_wait3A_160 = arith.constant 0 : i32
    %dma_wait3A_161 = arith.constant 0 : i32
    %dma_wait3A_162 = tpu.memref_slice %arg2[%dma_wait3A_160, %dma_wait3A_161] : memref<10000x128xf32, #tpu.memory_space<hbm>> -> memref<10000x128xf32, #tpu.memory_space<hbm>>
    tpu.wait_indirect_dma semaphore(%arg26 : memref<!tpu.dma_semaphore, #tpu.memory_space<semaphore_mem>>) src(%dma_wait3A_162 : memref<10000x128xf32, #tpu.memory_space<hbm>>) dst(%arg19 : memref<40x128xf32, #tpu.memory_space<vmem>>)
    %add3A_163 = arith.constant 9960 : i32
    %add3A_164 = arith.addi %mul3A_10, %add3A_163 : i32
    %multiple_of3A_165 = tpu.assume_multiple %add3A_164, 8 : i32
    %add3A_166 = arith.constant 320000 : i32
    %add3A_167 = arith.addi %add3A_166, %multiple_of3A_165 : i32
    %dma_wait3A_168 = tpu.memref_slice %arg3[%add3A_167] : memref<640000xi32, #tpu.memory_space<hbm>> -> memref<40xi32, #tpu.memory_space<hbm>>
    %dma_wait3A_169 = tpu.memref_slice %arg3[%add3A_167] : memref<640000xi32, #tpu.memory_space<hbm>> -> memref<40xi32, #tpu.memory_space<hbm>>
    tpu.wait_dma2 semaphore(%arg33 : memref<!tpu.dma_semaphore, #tpu.memory_space<semaphore_mem>>) src(%dma_wait3A_169 : memref<40xi32, #tpu.memory_space<hbm>>) dst(%arg12 : memref<40xi32, #tpu.memory_space<vmem>>)
    %dma_wait3A_170 = arith.constant 9960 : i32
    %dma_wait3A_171 = tpu.memref_slice %arg6[%dma_wait3A_170] : memref<10000xi32, #tpu.memory_space<vmem>> -> memref<40xi32, #tpu.memory_space<vmem>>
    %dma_wait3A_172 = arith.constant 0 : i32
    %dma_wait3A_173 = arith.constant 0 : i32
    %dma_wait3A_174 = tpu.memref_slice %arg2[%dma_wait3A_172, %dma_wait3A_173] : memref<10000x128xf32, #tpu.memory_space<hbm>> -> memref<10000x128xf32, #tpu.memory_space<hbm>>
    tpu.wait_indirect_dma semaphore(%arg27 : memref<!tpu.dma_semaphore, #tpu.memory_space<semaphore_mem>>) src(%dma_wait3A_174 : memref<10000x128xf32, #tpu.memory_space<hbm>>) dst(%arg20 : memref<40x128xf32, #tpu.memory_space<vmem>>)
    %add3A_175 = arith.constant 9960 : i32
    %add3A_176 = arith.addi %mul3A_10, %add3A_175 : i32
    %multiple_of3A_177 = tpu.assume_multiple %add3A_176, 8 : i32
    %add3A_178 = arith.constant 320000 : i32
    %add3A_179 = arith.addi %add3A_178, %multiple_of3A_177 : i32
    %dma_wait3A_180 = tpu.memref_slice %arg3[%add3A_179] : memref<640000xi32, #tpu.memory_space<hbm>> -> memref<40xi32, #tpu.memory_space<hbm>>
    %dma_wait3A_181 = tpu.memref_slice %arg3[%add3A_179] : memref<640000xi32, #tpu.memory_space<hbm>> -> memref<40xi32, #tpu.memory_space<hbm>>
    tpu.wait_dma2 semaphore(%arg34 : memref<!tpu.dma_semaphore, #tpu.memory_space<semaphore_mem>>) src(%dma_wait3A_181 : memref<40xi32, #tpu.memory_space<hbm>>) dst(%arg13 : memref<40xi32, #tpu.memory_space<vmem>>)
    %barrier3A_182 = arith.constant 0 : index
    tpu.barrier barrier_id(%barrier3A_182)
    %lt3A_183 = arith.constant 15 : i32
    %lt3A_184 = arith.cmpi slt, %arg1, %lt3A_183 : i32
    %convert_element_type3A_185 = arith.extui %lt3A_184 : i1 to i32
    %cond3A_186 = arith.constant 0 : i32
    %cond3A_187 = arith.cmpi ne, %convert_element_type3A_185, %cond3A_186 : i32
    scf.if %cond3A_187 {
      "tpu.region"() ({
        %run_scoped3A = tpu.sem_alloc : memref<!tpu.dma_semaphore, #tpu.memory_space<semaphore_mem>>
        %dma_start3A_193 = arith.constant 0 : i32
        %dma_start3A_194 = tpu.memref_slice %arg4[%arg0, %mul3A_2, %dma_start3A_193] : memref<2x10240x128xf32, #tpu.memory_space<hbm>> -> memref<1x640x128xf32, #tpu.memory_space<hbm>>
        %dma_start3A_195 = tpu.memref_squeeze %dma_start3A_194 : memref<1x640x128xf32, #tpu.memory_space<hbm>> -> memref<640x128xf32, #tpu.memory_space<hbm>>
        %dma_start3A_196 = arith.constant 0 : i32
        %dma_start3A_197 = tpu.memref_slice %arg5[%mul3A_2, %dma_start3A_196] : memref<10240x128xf32, #tpu.memory_space<vmem_shared>> -> memref<640x128xf32, #tpu.memory_space<vmem_shared>>
        tpu.enqueue_dma source(%dma_start3A_197 : memref<640x128xf32, #tpu.memory_space<vmem_shared>>) target(%dma_start3A_195 : memref<640x128xf32, #tpu.memory_space<hbm>>) target_semaphore(%run_scoped3A : memref<!tpu.dma_semaphore, #tpu.memory_space<semaphore_mem>>)
        %dma_wait3A_198 = arith.constant 0 : i32
        %dma_wait3A_199 = tpu.memref_slice %arg4[%arg0, %mul3A_2, %dma_wait3A_198] : memref<2x10240x128xf32, #tpu.memory_space<hbm>> -> memref<1x640x128xf32, #tpu.memory_space<hbm>>
        %dma_wait3A_200 = tpu.memref_squeeze %dma_wait3A_199 : memref<1x640x128xf32, #tpu.memory_space<hbm>> -> memref<640x128xf32, #tpu.memory_space<hbm>>
        %dma_wait3A_201 = arith.constant 0 : i32
        %dma_wait3A_202 = tpu.memref_slice %arg5[%mul3A_2, %dma_wait3A_201] : memref<10240x128xf32, #tpu.memory_space<vmem_shared>> -> memref<640x128xf32, #tpu.memory_space<vmem_shared>>
        tpu.wait_dma2 semaphore(%run_scoped3A : memref<!tpu.dma_semaphore, #tpu.memory_space<semaphore_mem>>) src(%dma_wait3A_202 : memref<640x128xf32, #tpu.memory_space<vmem_shared>>) dst(%dma_wait3A_200 : memref<640x128xf32, #tpu.memory_space<hbm>>)
        tpu.yield
      }) : () -> ()
    } else {
    }
    %eq3A_188 = arith.constant 15 : i32
    %eq3A_189 = arith.cmpi eq, %arg1, %eq3A_188 : i32
    %convert_element_type3A_190 = arith.extui %eq3A_189 : i1 to i32
    %cond3A_191 = arith.constant 0 : i32
    %cond3A_192 = arith.cmpi ne, %convert_element_type3A_190, %cond3A_191 : i32
    scf.if %cond3A_192 {
      "tpu.region"() ({
        %run_scoped3A = tpu.sem_alloc : memref<!tpu.dma_semaphore, #tpu.memory_space<semaphore_mem>>
        %dma_start3A_193 = arith.constant 9600 : i32
        %dma_start3A_194 = arith.constant 0 : i32
        %dma_start3A_195 = tpu.memref_slice %arg4[%arg0, %dma_start3A_193, %dma_start3A_194] : memref<2x10240x128xf32, #tpu.memory_space<hbm>> -> memref<1x400x128xf32, #tpu.memory_space<hbm>>
        %dma_start3A_196 = tpu.memref_squeeze %dma_start3A_195 : memref<1x400x128xf32, #tpu.memory_space<hbm>> -> memref<400x128xf32, #tpu.memory_space<hbm>>
        %dma_start3A_197 = arith.constant 9600 : i32
        %dma_start3A_198 = arith.constant 0 : i32
        %dma_start3A_199 = tpu.memref_slice %arg5[%dma_start3A_197, %dma_start3A_198] : memref<10240x128xf32, #tpu.memory_space<vmem_shared>> -> memref<400x128xf32, #tpu.memory_space<vmem_shared>>
        tpu.enqueue_dma source(%dma_start3A_199 : memref<400x128xf32, #tpu.memory_space<vmem_shared>>) target(%dma_start3A_196 : memref<400x128xf32, #tpu.memory_space<hbm>>) target_semaphore(%run_scoped3A : memref<!tpu.dma_semaphore, #tpu.memory_space<semaphore_mem>>)
        %dma_wait3A_200 = arith.constant 9600 : i32
        %dma_wait3A_201 = arith.constant 0 : i32
        %dma_wait3A_202 = tpu.memref_slice %arg4[%arg0, %dma_wait3A_200, %dma_wait3A_201] : memref<2x10240x128xf32, #tpu.memory_space<hbm>> -> memref<1x400x128xf32, #tpu.memory_space<hbm>>
        %dma_wait3A_203 = tpu.memref_squeeze %dma_wait3A_202 : memref<1x400x128xf32, #tpu.memory_space<hbm>> -> memref<400x128xf32, #tpu.memory_space<hbm>>
        %dma_wait3A_204 = arith.constant 9600 : i32
        %dma_wait3A_205 = arith.constant 0 : i32
        %dma_wait3A_206 = tpu.memref_slice %arg5[%dma_wait3A_204, %dma_wait3A_205] : memref<10240x128xf32, #tpu.memory_space<vmem_shared>> -> memref<400x128xf32, #tpu.memory_space<vmem_shared>>
        tpu.wait_dma2 semaphore(%run_scoped3A : memref<!tpu.dma_semaphore, #tpu.memory_space<semaphore_mem>>) src(%dma_wait3A_206 : memref<400x128xf32, #tpu.memory_space<vmem_shared>>) dst(%dma_wait3A_203 : memref<400x128xf32, #tpu.memory_space<hbm>>)
        tpu.yield
      }) : () -> ()
    } else {
    }
    return
  }
}

module attributes {stable_mosaic.version = 14 : i64} {
  func.func @_tc_mlp_bn_body(%arg0: i32, %arg1: i32, %arg2: memref<2x2000x128xf32, #tpu.memory_space<vmem>>, %arg3: memref<2000x128xf32, #tpu.memory_space<vmem>>, %arg4: memref<128x128xf32, #tpu.memory_space<vmem>>, %arg5: memref<128x128xf32, #tpu.memory_space<vmem>>, %arg6: memref<1x128xf32, #tpu.memory_space<vmem>>, %arg7: memref<1x128xf32, #tpu.memory_space<vmem>>, %arg8: memref<1x128xf32, #tpu.memory_space<vmem>>, %arg9: memref<1x128xf32, #tpu.memory_space<vmem>>, %arg10: memref<2000x128xf32, #tpu.memory_space<vmem>>, %arg11: memref<10000x128xf32, #tpu.memory_space<vmem>>, %arg12: memref<2x128xf32, #tpu.memory_space<vmem>>) attributes {dimension_semantics = [#tpu.dimension_semantics<arbitrary>, #tpu.dimension_semantics<arbitrary>], iteration_bounds = array<i64: 2, 5>, scalar_prefetch = 0 : i64, scratch_operands = 2 : i64, tpu.core_type = #tpu.core_type<tc>, window_params = [{transform_indices = @transform_0, window_bounds = array<i64: 2, 2000, 128>}, {transform_indices = @transform_1, window_bounds = array<i64: 2000, 128>}, {pipeline_mode = #tpu.pipeline_mode<synchronous>, transform_indices = @transform_2, window_bounds = array<i64: 128, 128>}, {pipeline_mode = #tpu.pipeline_mode<synchronous>, transform_indices = @transform_3, window_bounds = array<i64: 128, 128>}, {pipeline_mode = #tpu.pipeline_mode<synchronous>, transform_indices = @transform_4, window_bounds = array<i64: 1, 128>}, {pipeline_mode = #tpu.pipeline_mode<synchronous>, transform_indices = @transform_5, window_bounds = array<i64: 1, 128>}, {pipeline_mode = #tpu.pipeline_mode<synchronous>, transform_indices = @transform_6, window_bounds = array<i64: 1, 128>}, {pipeline_mode = #tpu.pipeline_mode<synchronous>, transform_indices = @transform_7, window_bounds = array<i64: 1, 128>}, {transform_indices = @transform_8, window_bounds = array<i64: 2000, 128>}]} {
    %eq3A = arith.constant 0 : i32
    %eq3A_0 = arith.cmpi eq, %arg0, %eq3A : i32
    %convert_element_type3A = arith.extui %eq3A_0 : i1 to i32
    %cond3A = arith.constant 0 : i32
    %cond3A_1 = arith.cmpi ne, %convert_element_type3A, %cond3A : i32
    scf.if %cond3A_1 {
      %get3A = arith.constant 0 : index
      %get3A_7 = arith.constant 0 : index
      %get3A_8 = arith.constant 0 : index
      %get3A_9 = vector.load %arg2[%get3A, %get3A_7, %get3A_8] : memref<2x2000x128xf32, #tpu.memory_space<vmem>>, vector<1x2000x128xf32>
      %get3A_10 = vector.shape_cast %get3A_9 : vector<1x2000x128xf32> to vector<2000x128xf32>
      %get3A_11 = arith.constant 1 : index
      %get3A_12 = arith.constant 0 : index
      %get3A_13 = arith.constant 0 : index
      %get3A_14 = vector.load %arg2[%get3A_11, %get3A_12, %get3A_13] : memref<2x2000x128xf32, #tpu.memory_space<vmem>>, vector<1x2000x128xf32>
      %get3A_15 = vector.shape_cast %get3A_14 : vector<1x2000x128xf32> to vector<2000x128xf32>
      %add3A = arith.addf %get3A_10, %get3A_15 : vector<2000x128xf32>
      %get3A_16 = arith.constant 0 : index
      %get3A_17 = arith.constant 0 : index
      %get3A_18 = vector.load %arg3[%get3A_16, %get3A_17] : memref<2000x128xf32, #tpu.memory_space<vmem>>, vector<2000x128xf32>
      %sub3A = arith.subf %add3A, %get3A_18 : vector<2000x128xf32>
      %get3A_19 = arith.constant 0 : index
      %get3A_20 = arith.constant 0 : index
      %get3A_21 = vector.load %arg4[%get3A_19, %get3A_20] : memref<128x128xf32, #tpu.memory_space<vmem>>, vector<128x128xf32>
      %dot_general3A = arith.constant dense<0.000000e+00> : vector<2000x128xf32>
      %dot_general3A_22 = tpu.matmul %sub3A, %get3A_21, %dot_general3A {dimension_numbers = #tpu.dot_dimension_numbers<[1], [0], [0], [1], [0, 0, 1, 1], [], []>, transpose_lhs_hint = false} : vector<2000x128xf32>, vector<128x128xf32>, vector<2000x128xf32> -> vector<2000x128xf32>
      %get3A_23 = arith.constant 0 : index
      %get3A_24 = arith.constant 0 : index
      %get3A_25 = vector.load %arg6[%get3A_23, %get3A_24] : memref<1x128xf32, #tpu.memory_space<vmem>>, vector<1x128xf32>
      %add3A_26 = vector.broadcast %get3A_25 : vector<1x128xf32> to vector<2000x128xf32>
      %add3A_27 = arith.addf %dot_general3A_22, %add3A_26 : vector<2000x128xf32>
      %max3A = arith.constant 0.000000e+00 : f32
      %max3A_28 = vector.broadcast %max3A : f32 to vector<2000x128xf32>
      %max3A_29 = arith.maximumf %add3A_27, %max3A_28 : vector<2000x128xf32>
      %get3A_30 = arith.constant 0 : index
      %get3A_31 = arith.constant 0 : index
      %get3A_32 = vector.load %arg5[%get3A_30, %get3A_31] : memref<128x128xf32, #tpu.memory_space<vmem>>, vector<128x128xf32>
      %dot_general3A_33 = arith.constant dense<0.000000e+00> : vector<2000x128xf32>
      %dot_general3A_34 = tpu.matmul %max3A_29, %get3A_32, %dot_general3A_33 {dimension_numbers = #tpu.dot_dimension_numbers<[1], [0], [0], [1], [0, 0, 1, 1], [], []>, transpose_lhs_hint = false} : vector<2000x128xf32>, vector<128x128xf32>, vector<2000x128xf32> -> vector<2000x128xf32>
      %get3A_35 = arith.constant 0 : index
      %get3A_36 = arith.constant 0 : index
      %get3A_37 = vector.load %arg7[%get3A_35, %get3A_36] : memref<1x128xf32, #tpu.memory_space<vmem>>, vector<1x128xf32>
      %add3A_38 = vector.broadcast %get3A_37 : vector<1x128xf32> to vector<2000x128xf32>
      %add3A_39 = arith.addf %dot_general3A_34, %add3A_38 : vector<2000x128xf32>
      %max3A_40 = arith.constant 0.000000e+00 : f32
      %max3A_41 = vector.broadcast %max3A_40 : f32 to vector<2000x128xf32>
      %max3A_42 = arith.maximumf %add3A_39, %max3A_41 : vector<2000x128xf32>
      %mul3A = arith.constant 2000 : i32
      %mul3A_43 = arith.muli %arg1, %mul3A : i32
      %swap3A = arith.index_cast %mul3A_43 : i32 to index
      %swap3A_44 = arith.constant 0 : index
      %swap3A_45 = vector.load %arg11[%swap3A, %swap3A_44] : memref<10000x128xf32, #tpu.memory_space<vmem>>, vector<2000x128xf32>
      tpu.vector_store %arg11[%swap3A, %swap3A_44], %max3A_42 {strides = array<i32>} : memref<10000x128xf32, #tpu.memory_space<vmem>>, vector<2000x128xf32>,
      %reduce_sum3A = arith.constant dense<0.000000e+00> : vector<128xf32>
      %reduce_sum3A_46 = vector.multi_reduction <add>, %max3A_42, %reduce_sum3A [0] : vector<2000x128xf32> to vector<128xf32>
      %broadcast_in_dim3A = vector.shape_cast %reduce_sum3A_46 : vector<128xf32> to vector<1x128xf32>
      %mul3A_47 = arith.mulf %max3A_42, %max3A_42 : vector<2000x128xf32>
      %reduce_sum3A_48 = arith.constant dense<0.000000e+00> : vector<128xf32>
      %reduce_sum3A_49 = vector.multi_reduction <add>, %mul3A_47, %reduce_sum3A_48 [0] : vector<2000x128xf32> to vector<128xf32>
      %broadcast_in_dim3A_50 = vector.shape_cast %reduce_sum3A_49 : vector<128xf32> to vector<1x128xf32>
      %eq3A_51 = arith.constant 0 : i32
      %eq3A_52 = arith.cmpi eq, %arg1, %eq3A_51 : i32
      %convert_element_type3A_53 = arith.extui %eq3A_52 : i1 to i32
      %cond3A_54 = arith.constant 0 : i32
      %cond3A_55 = arith.cmpi ne, %convert_element_type3A_53, %cond3A_54 : i32
      scf.if %cond3A_55 {
        %swap3A_63 = arith.constant 0 : index
        %swap3A_64 = arith.constant 0 : index
        %swap3A_65 = vector.load %arg12[%swap3A_63, %swap3A_64] : memref<2x128xf32, #tpu.memory_space<vmem>>, vector<1x128xf32>
        tpu.vector_store %arg12[%swap3A_63, %swap3A_64], %broadcast_in_dim3A {strides = array<i32>} : memref<2x128xf32, #tpu.memory_space<vmem>>, vector<1x128xf32>,
        %swap3A_66 = arith.constant 1 : index
        %swap3A_67 = arith.constant 0 : index
        %swap3A_68 = vector.load %arg12[%swap3A_66, %swap3A_67] : memref<2x128xf32, #tpu.memory_space<vmem>>, vector<1x128xf32>
        tpu.vector_store %arg12[%swap3A_66, %swap3A_67], %broadcast_in_dim3A_50 {strides = array<i32>} : memref<2x128xf32, #tpu.memory_space<vmem>>, vector<1x128xf32>,
      } else {
      }
      %gt3A = arith.constant 0 : i32
      %gt3A_56 = arith.cmpi sgt, %arg1, %gt3A : i32
      %convert_element_type3A_57 = arith.extui %gt3A_56 : i1 to i32
      %cond3A_58 = arith.constant 0 : i32
      %cond3A_59 = arith.cmpi ne, %convert_element_type3A_57, %cond3A_58 : i32
      scf.if %cond3A_59 {
        %get3A_63 = arith.constant 0 : index
        %get3A_64 = arith.constant 0 : index
        %get3A_65 = vector.load %arg12[%get3A_63, %get3A_64] : memref<2x128xf32, #tpu.memory_space<vmem>>, vector<1x128xf32>
        %add3A_66 = arith.addf %get3A_65, %broadcast_in_dim3A : vector<1x128xf32>
        %swap3A_67 = arith.constant 0 : index
        %swap3A_68 = arith.constant 0 : index
        %swap3A_69 = vector.load %arg12[%swap3A_67, %swap3A_68] : memref<2x128xf32, #tpu.memory_space<vmem>>, vector<1x128xf32>
        tpu.vector_store %arg12[%swap3A_67, %swap3A_68], %add3A_66 {strides = array<i32>} : memref<2x128xf32, #tpu.memory_space<vmem>>, vector<1x128xf32>,
        %get3A_70 = arith.constant 1 : index
        %get3A_71 = arith.constant 0 : index
        %get3A_72 = vector.load %arg12[%get3A_70, %get3A_71] : memref<2x128xf32, #tpu.memory_space<vmem>>, vector<1x128xf32>
        %add3A_73 = arith.addf %get3A_72, %broadcast_in_dim3A_50 : vector<1x128xf32>
        %swap3A_74 = arith.constant 1 : index
        %swap3A_75 = arith.constant 0 : index
        %swap3A_76 = vector.load %arg12[%swap3A_74, %swap3A_75] : memref<2x128xf32, #tpu.memory_space<vmem>>, vector<1x128xf32>
        tpu.vector_store %arg12[%swap3A_74, %swap3A_75], %add3A_73 {strides = array<i32>} : memref<2x128xf32, #tpu.memory_space<vmem>>, vector<1x128xf32>,
      } else {
      }
      %swap3A_60 = arith.constant 0 : index
      %swap3A_61 = arith.constant 0 : index
      %swap3A_62 = vector.load %arg10[%swap3A_60, %swap3A_61] : memref<2000x128xf32, #tpu.memory_space<vmem>>, vector<2000x128xf32>
      tpu.vector_store %arg10[%swap3A_60, %swap3A_61], %max3A_42 {strides = array<i32>} : memref<2000x128xf32, #tpu.memory_space<vmem>>, vector<2000x128xf32>,
    } else {
    }
    %eq3A_2 = arith.constant 1 : i32
    %eq3A_3 = arith.cmpi eq, %arg0, %eq3A_2 : i32
    %convert_element_type3A_4 = arith.extui %eq3A_3 : i1 to i32
    %cond3A_5 = arith.constant 0 : i32
    %cond3A_6 = arith.cmpi ne, %convert_element_type3A_4, %cond3A_5 : i32
    scf.if %cond3A_6 {
      %get3A = arith.constant 0 : index
      %get3A_7 = arith.constant 0 : index
      %get3A_8 = vector.load %arg12[%get3A, %get3A_7] : memref<2x128xf32, #tpu.memory_space<vmem>>, vector<1x128xf32>
      %mul3A = arith.constant 9.99999974E-5 : f32
      %mul3A_9 = vector.broadcast %mul3A : f32 to vector<1x128xf32>
      %mul3A_10 = arith.mulf %get3A_8, %mul3A_9 : vector<1x128xf32>
      %get3A_11 = arith.constant 1 : index
      %get3A_12 = arith.constant 0 : index
      %get3A_13 = vector.load %arg12[%get3A_11, %get3A_12] : memref<2x128xf32, #tpu.memory_space<vmem>>, vector<1x128xf32>
      %mul3A_14 = arith.constant 9.99999974E-5 : f32
      %mul3A_15 = vector.broadcast %mul3A_14 : f32 to vector<1x128xf32>
      %mul3A_16 = arith.mulf %get3A_13, %mul3A_15 : vector<1x128xf32>
      %mul3A_17 = arith.mulf %mul3A_10, %mul3A_10 : vector<1x128xf32>
      %sub3A = arith.subf %mul3A_16, %mul3A_17 : vector<1x128xf32>
      %add3A = arith.constant 9.99999974E-6 : f32
      %add3A_18 = vector.broadcast %add3A : f32 to vector<1x128xf32>
      %add3A_19 = arith.addf %sub3A, %add3A_18 : vector<1x128xf32>
      %rsqrt3A = math.rsqrt %add3A_19 : vector<1x128xf32>
      %mul3A_20 = arith.constant 2000 : i32
      %mul3A_21 = arith.muli %arg1, %mul3A_20 : i32
      %get3A_22 = arith.index_cast %mul3A_21 : i32 to index
      %get3A_23 = arith.constant 0 : index
      %get3A_24 = vector.load %arg11[%get3A_22, %get3A_23] : memref<10000x128xf32, #tpu.memory_space<vmem>>, vector<2000x128xf32>
      %sub3A_25 = vector.broadcast %mul3A_10 : vector<1x128xf32> to vector<2000x128xf32>
      %sub3A_26 = arith.subf %get3A_24, %sub3A_25 : vector<2000x128xf32>
      %get3A_27 = arith.constant 0 : index
      %get3A_28 = arith.constant 0 : index
      %get3A_29 = vector.load %arg8[%get3A_27, %get3A_28] : memref<1x128xf32, #tpu.memory_space<vmem>>, vector<1x128xf32>
      %mul3A_30 = arith.mulf %rsqrt3A, %get3A_29 : vector<1x128xf32>
      %mul3A_31 = vector.broadcast %mul3A_30 : vector<1x128xf32> to vector<2000x128xf32>
      %mul3A_32 = arith.mulf %sub3A_26, %mul3A_31 : vector<2000x128xf32>
      %get3A_33 = arith.constant 0 : index
      %get3A_34 = arith.constant 0 : index
      %get3A_35 = vector.load %arg9[%get3A_33, %get3A_34] : memref<1x128xf32, #tpu.memory_space<vmem>>, vector<1x128xf32>
      %add3A_36 = vector.broadcast %get3A_35 : vector<1x128xf32> to vector<2000x128xf32>
      %add3A_37 = arith.addf %mul3A_32, %add3A_36 : vector<2000x128xf32>
      %swap3A = arith.constant 0 : index
      %swap3A_38 = arith.constant 0 : index
      %swap3A_39 = vector.load %arg10[%swap3A, %swap3A_38] : memref<2000x128xf32, #tpu.memory_space<vmem>>, vector<2000x128xf32>
      tpu.vector_store %arg10[%swap3A, %swap3A_38], %add3A_37 {strides = array<i32>} : memref<2000x128xf32, #tpu.memory_space<vmem>>, vector<2000x128xf32>,
    } else {
    }
    return
  }
  func.func @transform_0(%arg0: i32, %arg1: i32) -> (i32, i32, i32) {
    %c0_i32 = arith.constant 0 : i32
    %c0_i32_0 = arith.constant 0 : i32
    %c0_i32_1 = arith.constant 0 : i32
    return %c0_i32, %arg1, %c0_i32_0 : i32, i32, i32
  }
  func.func @transform_1(%arg0: i32, %arg1: i32) -> (i32, i32) {
    %c0_i32 = arith.constant 0 : i32
    %c0_i32_0 = arith.constant 0 : i32
    return %arg1, %c0_i32 : i32, i32
  }
  func.func @transform_2(%arg0: i32, %arg1: i32) -> (i32, i32) {
    %c0_i32 = arith.constant 0 : i32
    %c0_i32_0 = arith.constant 0 : i32
    %c0_i32_1 = arith.constant 0 : i32
    return %c0_i32, %c0_i32_0 : i32, i32
  }
  func.func @transform_3(%arg0: i32, %arg1: i32) -> (i32, i32) {
    %c0_i32 = arith.constant 0 : i32
    %c0_i32_0 = arith.constant 0 : i32
    %c0_i32_1 = arith.constant 0 : i32
    return %c0_i32, %c0_i32_0 : i32, i32
  }
  func.func @transform_4(%arg0: i32, %arg1: i32) -> (i32, i32) {
    %c0_i32 = arith.constant 0 : i32
    %c0_i32_0 = arith.constant 0 : i32
    %c0_i32_1 = arith.constant 0 : i32
    return %c0_i32, %c0_i32_0 : i32, i32
  }
  func.func @transform_5(%arg0: i32, %arg1: i32) -> (i32, i32) {
    %c0_i32 = arith.constant 0 : i32
    %c0_i32_0 = arith.constant 0 : i32
    %c0_i32_1 = arith.constant 0 : i32
    return %c0_i32, %c0_i32_0 : i32, i32
  }
  func.func @transform_6(%arg0: i32, %arg1: i32) -> (i32, i32) {
    %c0_i32 = arith.constant 0 : i32
    %c0_i32_0 = arith.constant 0 : i32
    %c0_i32_1 = arith.constant 0 : i32
    return %c0_i32, %c0_i32_0 : i32, i32
  }
  func.func @transform_7(%arg0: i32, %arg1: i32) -> (i32, i32) {
    %c0_i32 = arith.constant 0 : i32
    %c0_i32_0 = arith.constant 0 : i32
    %c0_i32_1 = arith.constant 0 : i32
    return %c0_i32, %c0_i32_0 : i32, i32
  }
  func.func @transform_8(%arg0: i32, %arg1: i32) -> (i32, i32) {
    %mul3A = arith.muli %arg0, %arg1 : i32
    %c0_i32 = arith.constant 0 : i32
    %c0_i32_0 = arith.constant 0 : i32
    return %mul3A, %c0_i32 : i32, i32
  }
}

</mosaic_0001>

<sc_bundles>
// kernel: kernel.4.cloned.1.call-start
scs
__scs_entry_jumppad:
0x0: {  	(pc) =	sbr.rel $0x88, $3  }
0x1: {  	(tag) =	ssettag $0x0;
	lr =	simm.s32 $0x1  }
0x2: {  	[smem:$0x3F99] =	sst lr;
	_ =	strace $0xD0000000  }
0x3: {  	_ = 	snop  }
0x4: {  	_ = 	snop  }
0x5: {  	_ = 	snop  }
0x6: {  	_ = 	snop  }
0x7: {  	_ = 	snop  }
__scs_overlays_trampoline_lowered:
0x8: {  	[smem:$0x3FA8] =	sst s0  }
0x9: {  	[smem:$0x3FA9] =	sst s1  }
0xa: {  	[smem:$0x3FAA] =	sst s2  }
0xb: {  	[smem:$0x3FAB] =	sst s3  }
0xc: {  	[smem:$0x3FAC] =	sst s4  }
0xd: {  	[smem:$0x3FAD] =	sst s5  }
0xe: {  	[smem:$0x3FAE] =	sst s6  }
0xf: {  	[smem:$0x3FAF] =	sst s7  }
0x10: {  	[smem:$0x3FB0] =	sst s8  }
0x11: {  	[smem:$0x3FB1] =	sst s9;
	s0 =	simm.s32 @!p0 $0x0  }
0x12: {  	s1 =	sld [smem:$0x3F97];
	s0 =	simm.s32 @p0 $0x1  }
0x13: {  	[smem:$0x3FB2] =	sst s0;
	s0 =	simm.s32 @!p1 $0x0  }
0x14: {  	s2 =	sld [smem:$0x3F96];
	s0 =	simm.s32 @p1 $0x1  }
0x15: {  	[smem:$0x3FB3] =	sst s0;
	s0 =	simm.s32 @!p2 $0x0  }
0x16: {  	s3 =	sld [smem:$0x3FDB];
	s0 =	simm.s32 @p2 $0x1  }
0x17: {  	s4 =	simm.s32 $0x1BF5;
	[smem:$0x3FB5] =	sst s0  }
0x18: {  	s0 =	sld [smem:$0x3F98];
	_ =	swait.ge [sflag:s4], $0x0  }
0x19: {  	s7 =	sld [smem:$0x3F99]  }
0x1a: {  	s8 =	sadd.s32 $0xFFFFE003, lr  }
0x1b: {  	s9 =	sadd.s32 $0xFFFFFEF7, lr;
	s5 =	simm.s32 $0xFFFFFFFF;
	p2 =	slt.u32 s8, $0xFFFFF086  }
0x1c: {  	p1 =	slt.u32 s9, $0xF7A;
	s5 =	simm.s32 @!p2 $0x0  }
0x1d: {  	s5 =	simm.s32 @p1 $0x1;
	p0 =	seq.s32 s7, s2  }
0x1e: {  	s7 =	smul.u32 @!p0 $0xF7A, s2;
	p2 =	seq.s32 @!p0 s5, $0x0  }
0x1f: {  	s9 =	smul.u32 $0xF7A, s1;
	s8 =	simm.s32 @!p0 $0x1BF5;
	p2 =	por !p2, p0  }
0x20: {  	[sflag:s8] =	ssyncset.s32 @!p0 $0xFFFFF086;
	s6 =	sadd.s32 @!p0 s3, s7;
	s7 =	simm.s32 @!p0 $0x108  }
0x21: {  	s3 =	sadd.s32 s3, s9;
	s6 =	sadd.s32 @!p0 $0x88, s6;
	s7 =	simm.s32 @p2 $0x1082  }
0x22: {  	[simem:s7], [sflag:s8] =	dma.local @!p0 [hbm:s6], $0xF7A  }
0x23: {  	s9 =	sor.u32 $0xD0000000, s2;
	s6 =	simm.s32 $0x108;
	_ =	swait.ge @!p0 [sflag:s8], $0x0  }
0x24: {  	s3 =	sadd.s32 $0x88, s3;
	s6 =	simm.s32 @!p1 $0x1082;
	[sflag:s4] =	ssyncset.s32 $0xFFFFF086  }
0x25: {  	[simem:s6], [sflag:s4] =	dma.local [hbm:s3], $0xF7A  }
0x26: {  	[smem:$0x3F99] =	sst s1;
	(tag) =	ssettag s2;
	_ =	strace s9  }
0x27: {  	s1 =	sld [smem:$0x3FA9]  }
0x28: {  	s2 =	sld [smem:$0x3FAA]  }
0x29: {  	s4 =	sld [smem:$0x3FAC]  }
0x2a: {  	p0 =	seq.s32 s5, $0x0;
	s5 =	sld [smem:$0x3FAD]  }
0x2b: {  	s6 =	sld [smem:$0x3FAE]  }
0x2c: {  	s7 =	sld [smem:$0x3FAF]  }
0x2d: {  	s3 =	simm.s32 $0x108;
	s8 =	sld [smem:$0x3FB0]  }
0x2e: {  	s3 =	simm.s32 @!p0 $0x1082;
	s9 =	sld [smem:$0x3FB1]  }
0x2f: {  	lr =	sadd.s32 s0, s3;
	s0 =	sld [smem:$0x3FA8]  }
0x30: {  	s3 =	sld [smem:$0x3FAB]  }
0x31: {  	[smem:$0x3FB4] =	sst s10  }
0x32: {  	s10 =	sld [smem:$0x3FB2];
	_ =	sdelay $0x3  }
0x33: {  	p0 =	seq.s32 s10, $0x1;
	s10 =	sld [smem:$0x3FB4];
	_ =	sdelay $0x3  }
0x34: {  	[smem:$0x3FB4] =	sst s10  }
0x35: {  	s10 =	sld [smem:$0x3FB3];
	_ =	sdelay $0x3  }
0x36: {  	p1 =	seq.s32 s10, $0x1;
	s10 =	sld [smem:$0x3FB4];
	_ =	sdelay $0x3  }
0x37: {  	[smem:$0x3FB4] =	sst s10  }
0x38: {  	s10 =	sld [smem:$0x3FB5]  }
0x39: {  	_ = 	snop;
	(pc) =	sbr.ind lr, $3  }
0x3a: {  	_ = 	snop  }
0x3b: {  	_ = 	snop  }
0x3c: {  	p2 =	seq.s32 s10, $0x1;
	s10 =	sld [smem:$0x3FB4]  }
0x3d: {  	_ =	shalt  }
0x3e: {  	_ =	shalt  }
0x3f: {  	_ =	shalt  }
0x40: {  	_ =	shalt  }
0x41: {  	_ =	shalt  }
0x42: {  	_ =	shalt  }
0x43: {  	_ =	shalt  }
0x44: {  	_ =	shalt  }
0x45: {  	_ =	shalt  }
0x46: {  	_ =	shalt  }
0x47: {  	_ =	shalt  }
0x48: {  	_ =	shalt  }
0x49: {  	_ =	shalt  }
0x4a: {  	_ =	shalt  }
0x4b: {  	_ =	shalt  }
0x4c: {  	_ =	shalt  }
0x4d: {  	_ =	shalt  }
0x4e: {  	_ =	shalt  }
0x4f: {  	_ =	shalt  }
0x50: {  	_ =	shalt  }
0x51: {  	_ =	shalt  }
0x52: {  	_ =	shalt  }
0x53: {  	_ =	shalt  }
0x54: {  	_ =	shalt  }
0x55: {  	_ =	shalt  }
0x56: {  	_ =	shalt  }
0x57: {  	_ =	shalt  }
0x58: {  	_ =	shalt  }
0x59: {  	_ =	shalt  }
0x5a: {  	_ =	shalt  }
0x5b: {  	_ =	shalt  }
0x5c: {  	_ =	shalt  }
0x5d: {  	_ =	shalt  }
0x5e: {  	_ =	shalt  }
0x5f: {  	_ =	shalt  }
0x60: {  	_ =	shalt  }
0x61: {  	_ =	shalt  }
0x62: {  	_ =	shalt  }
0x63: {  	_ =	shalt  }
0x64: {  	_ =	shalt  }
0x65: {  	_ =	shalt  }
0x66: {  	_ =	shalt  }
0x67: {  	_ =	shalt  }
0x68: {  	_ =	shalt  }
0x69: {  	_ =	shalt  }
0x6a: {  	_ =	shalt  }
0x6b: {  	_ =	shalt  }
0x6c: {  	_ =	shalt  }
0x6d: {  	_ =	shalt  }
0x6e: {  	_ =	shalt  }
0x6f: {  	_ =	shalt  }
0x70: {  	_ =	shalt  }
0x71: {  	_ =	shalt  }
0x72: {  	_ =	shalt  }
0x73: {  	_ =	shalt  }
0x74: {  	_ =	shalt  }
0x75: {  	_ =	shalt  }
0x76: {  	_ =	shalt  }
0x77: {  	_ =	shalt  }
0x78: {  	_ =	shalt  }
0x79: {  	_ =	shalt  }
0x7a: {  	_ =	shalt  }
0x7b: {  	_ =	shalt  }
0x7c: {  	_ =	shalt  }
0x7d: {  	_ =	shalt  }
0x7e: {  	_ =	shalt  }
0x7f: {  	_ =	shalt  }
0x80: {  	_ =	shalt  }
0x81: {  	_ =	shalt  }
0x82: {  	_ =	shalt  }
0x83: {  	_ =	shalt  }
0x84: {  	_ =	shalt  }
0x85: {  	_ =	shalt  }
0x86: {  	_ =	shalt  }
0x87: {  	_ =	shalt  }
.Lfunc_end0:
.L_simem_size_0:
called_computation_lowered:
.L_overlay_start_0:
0x88: {  	s2 =	sld [smem:$0x3FD9]  }
0x89: {  	s3 =	sld [smem:$0x3FFE];
	_ =	sdelay $0x1  }
0x8a: {  	s1 =	srdreg.scid  }
0x8b: {  	s0 =	sand.u32 $0x1, s1  }
0x8c: {  	s17 =	sshll.u32 s0, $0xA;
	s2 =	sadd.s32 s3, s2  }
0x8d: {  	s2 =	sadd.s32 s2, s17  }
0x8e: {  	[smem:$0x3FC0] =	sst s2  }
0x8f: {  	_ = 	snop  }
0x90: {  	s2 =	sld [smem:$0x3FC9]  }
0x91: {  	s18 =	sld [smem:$0x3FD0];
	(tm) =	ssettm $0x1  }
0x92: {  	s4 =	sld [smem:$0x3FFB];
	_ =	sdelay $0x3  }
0x93: {  	_ =	strace s4  }
0x94: {  	s4 =	sld [smem:$0x3FFC];
	_ =	sdelay $0x3  }
0x95: {  	_ =	strace s4  }
0x96: {  	s4 =	sld [smem:$0x3FFD];
	_ =	sdelay $0x3  }
0x97: {  	_ =	strace s4  }
0x98: {  	_ =	strace $0x8FFFFFFF  }
0x99: {  	s19 =	sld [smem:$0x3FDB];
	_ =	sdelay $0x1  }
0x9a: {  	s5 =	simm.s32 $_scs_section_size  }
0x9b: {  	s6 =	simm.s32 $_size__tile_overlayer_lowered;
	s7 =	simm.s32 $_tile_overlayer_lowered  }
0x9c: {  	s22 =	simm.s32 $0x1BFF;
	s21 =	sshll.u32 s7, $0x1;
	s4 =	sadd.s32 s5, s19  }
0x9d: {  	s8 =	simm.s32 $0x0;
	s20 =	sshll.u32 s6, $0x1;
	s6 =	sadd.s32 s21, s4  }
0x9e: {  	[timem:s8], [sflag:s22] =	dma.local [hbm:s6], s20  }
0x9f: {  	_ =	swait.ge [sflag:s22], s20  }
0xa0: {  	s5 =	ssub.s32 $0x0, s20;
	[sflag:s22] =	ssyncset.done $0x0  }
0xa1: {  	[sflag:s22] =	ssyncadd.s32 s5;
	_ =	sdelay $0x1  }
0xa2: {  	s23 =	simm.s32 $0x1B8B  }
0xa3: {  	_ =	swait.ge [sflag:s23], $0x1  }
0xa4: {  	[sflag:s23] =	ssyncset.done $0x0  }
0xa5: {  	s25 =	simm.s32 $0x1B8E;
	s24 =	sld [smem:$0x3FFE];
	[sflag:s23] =	ssyncadd.s32 $0xFFFFFFFF  }
0xa6: {  	s26 =	simm.s32 $execute0_lowered;
	[smem:$0x3FD2] =	sst s25  }
0xa7: {  	s6 =	sshll.u32 s26, $0x1;
	_ =	strace $0x80000046;
	[dreg:$0x1] =	wrdreg $0xFFFFFFFF  }
0xa8: {  	s28 =	simm.s32 $_size_execute0_lowered;
	s4 =	sadd.s32 s4, s6;
	[dreg:$0x0] =	wrdreg $0x0  }
0xa9: {  	s6 =	sshll.u32 s28, $0x1;
	[dreg:$0x2] =	wrdreg s4  }
0xaa: {  	[dreg:$0x3] =	wrdreg s6  }
0xab: {  	[dreg:$0x4] =	wrdreg $0xC0  }
0xac: {  	_ =	task [dreg:s8], $0x5FFFF  }
0xad: {  	[dreg:$0x1] =	wrdreg $0xFFFFFFFF  }
0xae: {  	[dreg:$0x0] =	wrdreg $0x60  }
0xaf: {  	[dreg:$0x2] =	wrdreg s2  }
0xb0: {  	[dreg:$0x3] =	wrdreg s18  }
0xb1: {  	[dreg:$0x4] =	wrdreg s24  }
0xb2: {  	[dreg:$0x5] =	wrdreg $0x0  }
0xb3: {  	[dreg:$0x6] =	wrdreg $0x9  }
0xb4: {  	_ =	task.clear_ibuf [dreg:s8], $0x7FFFF;
	_ =	strace $0x90000046  }
0xb5: {  	s29 =	simm.s32 $0x9;
	_ =	strace $0x80000048  }
0xb6: {  	_ =	swait.ge [sflag:s29], $0x1  }
0xb7: {  	[sflag:s29] =	ssyncadd.s32 $0xFFFFFFFF  }
0xb8: {  	_ =	strace $0x90000048  }
0xb9: {  	_ =	sfence  }
0xba: {  	s30 =	sld [smem:$0x0];
	_ =	sdelay $0x2  }
0xbb: {  	s31 =	sshll.u32 s1, $0xD;
	s1 =	sshrl.u32 s1, $0x2  }
0xbc: {  	s3 =	sand.u32 $0x4000, s31;
	s1 =	sadd.s32 s1, s30  }
0xbd: {  	s0 =	sor.u32 s3, s0;
	s1 =	sshll.u32 s1, $0x11  }
0xbe: {  	s0 =	sor.u32 s1, s0  }
0xbf: {  	s0 =	sadd.s32 $0x8F2B, s0  }
0xc0: {  	[sflag:s0] =	ssyncadd.remote.s32 $0x1  }
0xc1: {  	_ =	sfence.sel $0xFFFF  }
0xc2: {  	[dreg:$0x0] =	wrdreg $0xFFFFFFFF;
	(pc) =	sbr.abs _section_cstart, $3  }
0xc3: {  	[dreg:$0x1] =	wrdreg $0xFFFFFFFF  }
0xc4: {  	_ =	task.clear_ibuf [dreg:s8], $0x2FFFF;
	_ =	strace $0x9FFFFFFF  }
0xc5: {  	(tm) =	ssettm $0x7FFFFFFF  }
tec
execute0_lowered:
.L_overlay_start_1:
0x0: {  	(tag) =	ssettag $0x1  }
0x1: {  	s1 =	rddreg [dreg:$0x0]  }
0x2: {  	s12 =	rddreg [dreg:$0x1]  }
0x3: {  	s0 =	rddreg [dreg:$0x2]  }
0x4: {  	s3 =	rddreg [dreg:$0x3];
	s5 =	simm.s32 $0x0;
	s13 =	stileid.u32  }
0x5: {  	s2 =	srdreg.scid;
	s28 =	simm.s32 $0xE;
	s6 =	smul.u32 $0x50000, s13  }
0x6: {  	[smem:$0x7FF] =	sst s5;
	s2 =	sand.u32 $0x1, s2;
	s8 =	smul.u32 $0x2800, s13  }
0x7: {  	s0 =	sadd.s32 $0x1A00, s0;
	s23 =	sadd.s32 $0x12C000, s3;
	s31 =	smul.u32 $0x14000, s13  }
0x8: {  	s24 =	sadd.s32 $0x25800, s1;
	s10 =	smul.u32 $0x2710, s13;
	p0 =	seq.s32 s13, $0xF  }
0x9: {  	_ =	strace $0x80000047;
	s4 =	sshll.u32 s2, $0x4;
	[dreg:$0xc] =	wrdreg s23  }
0xa: {  	s7 =	ssub.s32 $0x2, s2;
	[dreg:$0xd] =	wrdreg s24;
	s30 =	smul.u32 $0x140000, s2  }
0xb: {  	s2 =	smul.u32 $0x27100, s2;
	s4 =	sor.u32 s13, s4;
	s9 =	sshrl.u32 s7, $0x1  }
0xc: {  	s6 =	sshrl.u32 s6, $0x2;
	s22 =	sadd.s32 s1, s8;
	s4 =	smul.u32 $0x2710, s4  }
0xd: {  	s7 =	ssub.s32 s7, s9;
	s6 =	sadd.s32 s6, s3;
	[dreg:$0xb] =	wrdreg s22  }
0xe: {  	s18 =	sadd.s32 s31, s30;
	s2 =	sadd.s32 s10, s2;
	s23 =	sshrl.u32 s30, $0x3  }
0xf: {  	[dreg:$0xa] =	wrdreg s6;
	s20 =	sadd.s32 $0x4E3B8, s2;
	s22 =	sadd.s32 $0x4E390, s2  }
0x10: {  	s31 =	smax.u32 s7, $0x1;
	s25 =	sshrl.u32 s4, $0x3;
	s11 =	sadd.s32 $0x4E200, s4  }
0x11: {  	s26 =	sadd.s32 $0x4E228, s4;
	s16 =	sadd.s32 $0x4E278, s4;
	s4 =	sadd.s32 $0x4E2C8, s4  }
0x12: {  	s21 =	sshrl.u32 s20, $0x3;
	[dreg:$0x18] =	wrdreg s31;
	s14 =	sadd.s32 s12, s25  }
0x13: {  	s29 =	sshrl.u32 s11, $0x3;
	s6 =	sshrl.u32 s26, $0x3;
	s4 =	sshrl.u32 s4, $0x3  }
0x14: {  	s25 =	sadd.s32 $0x4E368, s2;
	s8 =	sadd.s32 s12, s29;
	[dreg:$0xe] =	wrdreg s14  }
0x15: {  	s6 =	sadd.s32 s12, s6;
	s15 =	sadd.s32 $0x9C4A, s14;
	[dreg:$0xf] =	wrdreg s8  }
0x16: {  	s17 =	sadd.s32 $0x9C54, s14;
	s4 =	sadd.s32 s12, s4;
	[dreg:$0x10] =	wrdreg s6  }
0x17: {  	s19 =	sadd.s32 $0x9C5E, s14;
	s26 =	sshrl.u32 s25, $0x3;
	[dreg:$0x11] =	wrdreg s15  }
0x18: {  	s29 =	sadd.s32 $0x4E340, s2;
	s2 =	sadd.s32 $0x4E318, s2;
	[dreg:$0x13] =	wrdreg s17  }
0x19: {  	s25 =	simm.s32 $0x28;
	s8 =	sshrl.u32 s16, $0x3;
	[dreg:$0x14] =	wrdreg s4  }
0x1a: {  	[dreg:$0x15] =	wrdreg s19;
	s4 =	sshrl.u32 s18, $0x3;
	s6 =	sshrl.u32 s22, $0x3  }
0x1b: {  	s2 =	sshrl.u32 s2, $0x3;
	s18 =	simm.s32 $0x16A00;
	s8 =	sadd.s32 s12, s8  }
0x1c: {  	s19 =	simm.s32 $0x1CF00;
	s4 =	sadd.s32 s0, s4;
	[dreg:$0x12] =	wrdreg s8  }
0x1d: {  	s22 =	simm.s32 $0x16A00;
	s24 =	sadd.s32 s6, s12;
	[dreg:$0x16] =	wrdreg s4  }
0x1e: {  	s6 =	sshrl.u32 s29, $0x3;
	s2 =	sadd.s32 s2, s12;
	[dreg:$0x6] =	wrdreg s24  }
0x1f: {  	s0 =	sadd.s32 s0, s23;
	s4 =	sadd.s32 s21, s12;
	[dreg:$0x9] =	wrdreg s2  }
0x20: {  	s23 =	simm.s32 $0xF;
	s30 =	sadd.s32 s6, s12;
	[dreg:$0x5] =	wrdreg s4  }
0x21: {  	s0 =	sadd.s32 $0x25800, s0;
	s24 =	simm.s32 $0xD;
	[dreg:$0x8] =	wrdreg s30  }
0x22: {  	s2 =	simm.s32 $0x0;
	s4 =	sadd.s32 s26, s12;
	[dreg:$0x17] =	wrdreg s0  }
0x23: {  	s21 =	simm.s32 $0x16A80;
	s26 =	simm.s32 $0x7;
	[dreg:$0x7] =	wrdreg s4  }
.LBB2_1:
0x24: {  	[dreg:$0x19] =	wrdreg s2  }
0x25: {  	s0 =	rddreg [dreg:$0xc]  }
0x26: {  	s4 =	rddreg [dreg:$0xd];
	s2 =	sshrl.u32 @p0 s0, $0x3  }
0x27: {  	s0 =	simm.s32 @p0 $0x1FCF;
	[dreg:$0x1a] =	wrdreg s2  }
0x28: {  	[spmem:s2], [sflag:s0] =	dma.local @p0 [hbm:s4], $0x1900  }
0x29: {  	s0 =	simm.s32 @p0 $0xF  }
0x2a: {  	s4 =	stileid.u32;
	_ =	swait.ge @p0 [sflag:s0], $0x1900  }
0x2b: {  	s4 =	sshll.u32 @!p0 s4, $0x6;
	[sflag:s0] =	ssyncset.done @p0 $0x0  }
0x2c: {  	s2 =	sor.u32 @!p0 $0x1C0F, s4;
	[sflag:s0] =	ssyncadd.s32 @p0 $0xFFFFE700;
	s0 =	rddreg [dreg:$0xa]  }
0x2d: {  	[dreg:$0x1b] =	wrdreg s2  }
0x2e: {  	s4 =	sshrl.u32 @!p0 s0, $0x3;
	s0 =	rddreg [dreg:$0xb]  }
0x2f: {  	[dreg:$0x1c] =	wrdreg s4  }
0x30: {  	[spmem:s4], [sflag:s2] =	dma.local @!p0 [hbm:s0], $0x2800  }
0x31: {  	s0 =	simm.s32 @!p0 $0xF  }
0x32: {  	_ =	swait.ge @!p0 [sflag:s0], $0x2800  }
0x33: {  	[sflag:s0] =	ssyncset.done @!p0 $0x0  }
0x34: {  	s10 =	simm.s32 $0x14000;
	s9 =	rddreg [dreg:$0xe];
	[sflag:s0] =	ssyncadd.s32 @!p0 $0xFFFFD800  }
0x35: {  	[tilespmem:s10], [sflag:$0xF] =	stream.linear.gather [hbm4b:s9+s5], $0x2710, $0x38;
	[tilespmem:$0x1F700] =	vst v63  }
0x36: {  	_ =	swait.ge [sflag:s23], $0x2710  }
0x37: {  	[sflag:s23] =	ssyncset.done $0x0  }
0x38: {  	[sflag:s23] =	ssyncadd.s32 $0xFFFFD8F0  }
0x39: {  	[bflag:$0x0] =	sbarrier.arrive $0xFFFF  }
0x3a: {  	s6 =	simm.s32 $0x16780;
	s12 =	rddreg [dreg:$0xf]  }
0x3b: {  	[tilespmem:s6], [sflag:$0x8] =	stream.linear.gather [hbm4b:s12+s5], $0x28, $0x38;
	[tilespmem:$0x1F700] =	vst v63  }
0x3c: {  	s7 =	simm.s32 $0x16B00  }
0x3d: {  	[tilespmem:s7], [sflag:$0x1] =	stream.indirect.gather [hbm4b:s1+s25], $0x80, s10, s25, $0xb8;
	[tilespmem:$0x1F700] =	vst v63  }
0x3e: {  	s8 =	simm.s32 $0x16800;
	s13 =	rddreg [dreg:$0x10]  }
0x3f: {  	[tilespmem:s8], [sflag:$0x9] =	stream.linear.gather [hbm4b:s13+s5], $0x28, $0x38;
	[tilespmem:$0x1F700] =	vst v63  }
0x40: {  	s14 =	simm.s32 $0x14028;
	s9 =	simm.s32 $0x17F00  }
0x41: {  	[tilespmem:s9], [sflag:$0x2] =	stream.indirect.gather [hbm4b:s1+s25], $0x80, s14, s25, $0xb8;
	[tilespmem:$0x1F700] =	vst v63  }
0x42: {  	s15 =	rddreg [dreg:$0x11];
	s12 =	simm.s32 $0x16880  }
0x43: {  	[tilespmem:s12], [sflag:$0xA] =	stream.linear.gather [hbm4b:s15+s5], $0x28, $0x38;
	[tilespmem:$0x1F700] =	vst v63  }
0x44: {  	s16 =	simm.s32 $0x14050;
	s13 =	simm.s32 $0x19300  }
0x45: {  	[tilespmem:s13], [sflag:$0x3] =	stream.indirect.gather [hbm4b:s1+s25], $0x80, s16, s25, $0xb8;
	[tilespmem:$0x1F700] =	vst v63  }
0x46: {  	s17 =	rddreg [dreg:$0x12];
	s14 =	simm.s32 $0x16900  }
0x47: {  	[tilespmem:s14], [sflag:$0xB] =	stream.linear.gather [hbm4b:s17+s5], $0x28, $0x38;
	[tilespmem:$0x1F700] =	vst v63  }
0x48: {  	s20 =	simm.s32 $0x14078;
	s15 =	simm.s32 $0x1A700  }
0x49: {  	[tilespmem:s15], [sflag:$0x4] =	stream.indirect.gather [hbm4b:s1+s25], $0x80, s20, s25, $0xb8;
	[tilespmem:$0x1F700] =	vst v63  }
0x4a: {  	s2 =	rddreg [dreg:$0x13];
	s16 =	simm.s32 $0x16980  }
0x4b: {  	[tilespmem:s16], [sflag:$0xC] =	stream.linear.gather [hbm4b:s2+s5], $0x28, $0x38;
	[tilespmem:$0x1F700] =	vst v63  }
0x4c: {  	s4 =	simm.s32 $0x140A0;
	s17 =	simm.s32 $0x1BB00  }
0x4d: {  	[tilespmem:s17], [sflag:$0x5] =	stream.indirect.gather [hbm4b:s1+s25], $0x80, s4, s25, $0xb8;
	[tilespmem:$0x1F700] =	vst v63  }
0x4e: {  	s10 =	rddreg [dreg:$0x14]  }
0x4f: {  	[tilespmem:s18], [sflag:$0xD] =	stream.linear.gather [hbm4b:s10+s5], $0x28, $0x38;
	[tilespmem:$0x1F700] =	vst v63  }
0x50: {  	s20 =	simm.s32 $0x140C8  }
0x51: {  	[tilespmem:s19], [sflag:$0x6] =	stream.indirect.gather [hbm4b:s1+s25], $0x80, s20, s25, $0xb8;
	[tilespmem:$0x1F700] =	vst v63  }
0x52: {  	s2 =	rddreg [dreg:$0x15];
	s20 =	simm.s32 $0x16A80  }
0x53: {  	[tilespmem:s20], [sflag:$0xE] =	stream.linear.gather [hbm4b:s2+s5], $0x28, $0x38;
	[tilespmem:$0x1F700] =	vst v63  }
0x54: {  	s4 =	simm.s32 $0x140F0;
	s10 =	simm.s32 $0x1E300;
	s2 =	simm.s32 $0x1  }
0x55: {  	[tilespmem:s10], [sflag:$0x7] =	stream.indirect.gather [hbm4b:s1+s25], $0x80, s4, s25, $0xb8;
	[tilespmem:$0x1F700] =	vst v63  }
0x56: {  	_ =	swait.ge [sflag:s2], $0x1400  }
0x57: {  	[sflag:s2] =	ssyncset.done $0x0  }
0x58: {  	s4 =	simm.s32 $0x8;
	[sflag:s2] =	ssyncadd.s32 $0xFFFFEC00  }
0x59: {  	_ =	swait.ge [sflag:s4], $0x28  }
0x5a: {  	[sflag:s4] =	ssyncset.done $0x0  }
0x5b: {  	[sflag:s4] =	ssyncadd.s32 $0xFFFFFFD8  }
0x5c: {  	[spmem:s3] =	stream.indirect.scatter.add.f32 [tilespmem:s7], [sflag:$0xF], $0x80, s6, s25, $0xb8;
	[tilespmem:$0x1F700] =	vst v63  }
0x5d: {  	_ =	swait.ge [sflag:s23], $0x1400  }
0x5e: {  	[sflag:s23] =	ssyncset.done $0x0  }
0x5f: {  	s2 =	simm.s32 $0x14118;
	s0 =	rddreg [dreg:$0x9];
	[sflag:s23] =	ssyncadd.s32 $0xFFFFEC00  }
0x60: {  	[tilespmem:s7], [sflag:$0x1] =	stream.indirect.gather [hbm4b:s1+s25], $0x80, s2, s25, $0xb8;
	[tilespmem:$0x1F700] =	vst v63  }
0x61: {  	s0 =	sadd.s32 $0x0, s0  }
0x62: {  	[tilespmem:s6], [sflag:$0x8] =	stream.linear.gather [hbm4b:s0+s5], $0x28, $0x38;
	[tilespmem:$0x1F700] =	vst v63  }
0x63: {  	s6 =	simm.s32 $0x2  }
0x64: {  	_ =	swait.ge [sflag:s6], $0x1400  }
0x65: {  	[sflag:s6] =	ssyncset.done $0x0  }
0x66: {  	s7 =	simm.s32 $0x9;
	[sflag:s6] =	ssyncadd.s32 $0xFFFFEC00  }
0x67: {  	_ =	swait.ge [sflag:s7], $0x28  }
0x68: {  	[sflag:s7] =	ssyncset.done $0x0  }
0x69: {  	[sflag:s7] =	ssyncadd.s32 $0xFFFFFFD8  }
0x6a: {  	[spmem:s3] =	stream.indirect.scatter.add.f32 [tilespmem:s9], [sflag:$0xF], $0x80, s8, s25, $0xb8;
	[tilespmem:$0x1F700] =	vst v63  }
0x6b: {  	_ =	swait.ge [sflag:s23], $0x1400  }
0x6c: {  	[sflag:s23] =	ssyncset.done $0x0  }
0x6d: {  	s6 =	simm.s32 $0x14140;
	s2 =	rddreg [dreg:$0x8];
	[sflag:s23] =	ssyncadd.s32 $0xFFFFEC00  }
0x6e: {  	[tilespmem:s9], [sflag:$0x2] =	stream.indirect.gather [hbm4b:s1+s25], $0x80, s6, s25, $0xb8;
	[tilespmem:$0x1F700] =	vst v63  }
0x6f: {  	s7 =	simm.s32 $0x3;
	s0 =	sadd.s32 $0x0, s2  }
0x70: {  	[tilespmem:s8], [sflag:$0x9] =	stream.linear.gather [hbm4b:s0+s5], $0x28, $0x38;
	[tilespmem:$0x1F700] =	vst v63  }
0x71: {  	_ =	swait.ge [sflag:s7], $0x1400  }
0x72: {  	[sflag:s7] =	ssyncset.done $0x0  }
0x73: {  	s8 =	simm.s32 $0xA;
	[sflag:s7] =	ssyncadd.s32 $0xFFFFEC00  }
0x74: {  	_ =	swait.ge [sflag:s8], $0x28  }
0x75: {  	[sflag:s8] =	ssyncset.done $0x0  }
0x76: {  	[sflag:s8] =	ssyncadd.s32 $0xFFFFFFD8  }
0x77: {  	[spmem:s3] =	stream.indirect.scatter.add.f32 [tilespmem:s13], [sflag:$0xF], $0x80, s12, s25, $0xb8;
	[tilespmem:$0x1F700] =	vst v63  }
0x78: {  	_ =	swait.ge [sflag:s23], $0x1400  }
0x79: {  	[sflag:s23] =	ssyncset.done $0x0  }
0x7a: {  	s2 =	simm.s32 $0x14168;
	s9 =	rddreg [dreg:$0x7];
	[sflag:s23] =	ssyncadd.s32 $0xFFFFEC00  }
0x7b: {  	[tilespmem:s13], [sflag:$0x3] =	stream.indirect.gather [hbm4b:s1+s25], $0x80, s2, s25, $0xb8;
	[tilespmem:$0x1F700] =	vst v63  }
0x7c: {  	s4 =	simm.s32 $0x4;
	s0 =	sadd.s32 $0x0, s9  }
0x7d: {  	[tilespmem:s12], [sflag:$0xA] =	stream.linear.gather [hbm4b:s0+s5], $0x28, $0x38;
	[tilespmem:$0x1F700] =	vst v63  }
0x7e: {  	_ =	swait.ge [sflag:s4], $0x1400  }
0x7f: {  	[sflag:s4] =	ssyncset.done $0x0  }
0x80: {  	s6 =	simm.s32 $0xB;
	[sflag:s4] =	ssyncadd.s32 $0xFFFFEC00  }
0x81: {  	_ =	swait.ge [sflag:s6], $0x28  }
0x82: {  	[sflag:s6] =	ssyncset.done $0x0  }
0x83: {  	[sflag:s6] =	ssyncadd.s32 $0xFFFFFFD8  }
0x84: {  	[spmem:s3] =	stream.indirect.scatter.add.f32 [tilespmem:s15], [sflag:$0xF], $0x80, s14, s25, $0xb8;
	[tilespmem:$0x1F700] =	vst v63  }
0x85: {  	_ =	swait.ge [sflag:s23], $0x1400  }
0x86: {  	[sflag:s23] =	ssyncset.done $0x0  }
0x87: {  	s8 =	simm.s32 $0x14190;
	s7 =	rddreg [dreg:$0x6];
	[sflag:s23] =	ssyncadd.s32 $0xFFFFEC00  }
0x88: {  	[tilespmem:s15], [sflag:$0x4] =	stream.indirect.gather [hbm4b:s1+s25], $0x80, s8, s25, $0xb8;
	[tilespmem:$0x1F700] =	vst v63  }
0x89: {  	s9 =	simm.s32 $0x5;
	s0 =	sadd.s32 $0x0, s7  }
0x8a: {  	[tilespmem:s14], [sflag:$0xB] =	stream.linear.gather [hbm4b:s0+s5], $0x28, $0x38;
	[tilespmem:$0x1F700] =	vst v63  }
0x8b: {  	_ =	swait.ge [sflag:s9], $0x1400  }
0x8c: {  	[sflag:s9] =	ssyncset.done $0x0  }
0x8d: {  	s12 =	simm.s32 $0xC;
	[sflag:s9] =	ssyncadd.s32 $0xFFFFEC00  }
0x8e: {  	_ =	swait.ge [sflag:s12], $0x28  }
0x8f: {  	[sflag:s12] =	ssyncset.done $0x0  }
0x90: {  	[sflag:s12] =	ssyncadd.s32 $0xFFFFFFD8  }
0x91: {  	[spmem:s3] =	stream.indirect.scatter.add.f32 [tilespmem:s17], [sflag:$0xF], $0x80, s16, s25, $0xb8;
	[tilespmem:$0x1F700] =	vst v63  }
0x92: {  	_ =	swait.ge [sflag:s23], $0x1400  }
0x93: {  	[sflag:s23] =	ssyncset.done $0x0  }
0x94: {  	s30 =	simm.s32 $0x141B8;
	s13 =	rddreg [dreg:$0x5];
	[sflag:s23] =	ssyncadd.s32 $0xFFFFEC00  }
0x95: {  	[tilespmem:s17], [sflag:$0x5] =	stream.indirect.gather [hbm4b:s1+s25], $0x80, s30, s25, $0xb8;
	[tilespmem:$0x1F700] =	vst v63  }
0x96: {  	s14 =	simm.s32 $0x6;
	s0 =	sadd.s32 $0x0, s13  }
0x97: {  	[tilespmem:s16], [sflag:$0xC] =	stream.linear.gather [hbm4b:s0+s5], $0x28, $0x38;
	[tilespmem:$0x1F700] =	vst v63  }
0x98: {  	_ =	swait.ge [sflag:s14], $0x1400  }
0x99: {  	[sflag:s14] =	ssyncset.done $0x0  }
0x9a: {  	[sflag:s14] =	ssyncadd.s32 $0xFFFFEC00  }
0x9b: {  	_ =	swait.ge [sflag:s24], $0x28  }
0x9c: {  	[sflag:s24] =	ssyncset.done $0x0  }
0x9d: {  	s15 =	smin.u32 s5, $0xED;
	[sflag:s24] =	ssyncadd.s32 $0xFFFFFFD8  }
0x9e: {  	[spmem:s3] =	stream.indirect.scatter.add.f32 [tilespmem:s19], [sflag:$0xF], $0x80, s18, s25, $0xb8;
	[tilespmem:$0x1F700] =	vst v63  }
0x9f: {  	s0 =	smul.u32 $0x28, s15;
	_ =	swait.ge [sflag:s23], $0x1400  }
0xa0: {  	[sflag:s23] =	ssyncset.done $0x0  }
0xa1: {  	s16 =	sadd.s32 s11, s0;
	s0 =	sadd.s32 $0x141E0, s0;
	[sflag:s23] =	ssyncadd.s32 $0xFFFFEC00  }
0xa2: {  	[tilespmem:s19], [sflag:$0x6] =	stream.indirect.gather [hbm4b:s1+s25], $0x80, s0, s25, $0xb8;
	[tilespmem:$0x1F700] =	vst v63  }
0xa3: {  	s4 =	sshrl.u32 s16, $0x3;
	s17 =	rddreg [dreg:$0x1]  }
0xa4: {  	s0 =	sadd.s32 s17, s4  }
0xa5: {  	s0 =	sadd.s32 $0x3C, s0  }
0xa6: {  	[tilespmem:s18], [sflag:$0xD] =	stream.linear.gather [hbm4b:s0+s5], $0x28, $0x38;
	[tilespmem:$0x1F700] =	vst v63  }
0xa7: {  	_ =	swait.ge [sflag:s26], $0x1400  }
0xa8: {  	[sflag:s26] =	ssyncset.done $0x0  }
0xa9: {  	s18 =	smin.u32 s5, $0xEC;
	[sflag:s26] =	ssyncadd.s32 $0xFFFFEC00  }
0xaa: {  	s0 =	smul.u32 $0x28, s18;
	_ =	swait.ge [sflag:s28], $0x28  }
0xab: {  	s31 =	simm.s32 $0x23;
	[sflag:s28] =	ssyncset.done $0x0  }
0xac: {  	s29 =	simm.s32 $0x0;
	s19 =	sadd.s32 s11, s0;
	[sflag:s28] =	ssyncadd.s32 $0xFFFFFFD8  }
0xad: {  	[spmem:s3] =	stream.indirect.scatter.add.f32 [tilespmem:s10], [sflag:$0xF], $0x80, s20, s25, $0xb8;
	[tilespmem:$0x1F700] =	vst v63  }
0xae: {  	s4 =	sadd.s32 $0x14208, s0;
	s20 =	sadd.s32 $0x208, s19;
	_ =	swait.ge [sflag:s23], $0x1400  }
0xaf: {  	s6 =	sshrl.u32 s20, $0x3;
	s20 =	simm.s32 $0x1CF00;
	[sflag:s23] =	ssyncset.done $0x0  }
.LBB2_2:
0xb0: {  	[sflag:s23] =	ssyncadd.s32 $0xFFFFEC00;
	s10 =	simm.s32 $0x1E300  }
0xb1: {  	[tilespmem:s10], [sflag:$0x7] =	stream.indirect.gather [hbm4b:s1+s25], $0x80, s4, s25, $0xb8;
	[tilespmem:$0x1F700] =	vst v63  }
0xb2: {  	s7 =	rddreg [dreg:$0x1]  }
0xb3: {  	s2 =	simm.s32 $0x1;
	s14 =	sadd.s32 s7, s6  }
0xb4: {  	[tilespmem:s21], [sflag:$0xE] =	stream.linear.gather [hbm4b:s14+s5], $0x28, $0x38;
	[tilespmem:$0x1F700] =	vst v63  }
0xb5: {  	_ =	swait.ge [sflag:s2], $0x1400  }
0xb6: {  	[sflag:s2] =	ssyncset.done $0x0  }
0xb7: {  	s15 =	simm.s32 $0x8;
	[sflag:s2] =	ssyncadd.s32 $0xFFFFEC00  }
0xb8: {  	_ =	swait.ge [sflag:s15], $0x28  }
0xb9: {  	[sflag:s15] =	ssyncset.done $0x0  }
0xba: {  	s9 =	simm.s32 $0x16780;
	s8 =	simm.s32 $0x16B00;
	[sflag:s15] =	ssyncadd.s32 $0xFFFFFFD8  }
0xbb: {  	[spmem:s3] =	stream.indirect.scatter.add.f32 [tilespmem:s8], [sflag:$0xF], $0x80, s9, s25, $0xb8;
	[tilespmem:$0x1F700] =	vst v63  }
0xbc: {  	_ =	swait.ge [sflag:s23], $0x1400  }
0xbd: {  	s30 =	sadd.s32 $0x118, s30;
	s0 =	smov.u32 s31;
	[sflag:s23] =	ssyncset.done $0x0  }
0xbe: {  	s16 =	sadd.s32 $0xFFFFFF60, s30;
	s17 =	rddreg [dreg:$0x9];
	[sflag:s23] =	ssyncadd.s32 $0xFFFFEC00  }
0xbf: {  	[tilespmem:s8], [sflag:$0x1] =	stream.indirect.gather [hbm4b:s1+s25], $0x80, s16, s25, $0xb8;
	[tilespmem:$0x1F700] =	vst v63  }
0xc0: {  	s19 =	simm.s32 $0x2;
	s18 =	sadd.s32 s0, s17  }
0xc1: {  	[tilespmem:s9], [sflag:$0x8] =	stream.linear.gather [hbm4b:s18+s5], $0x28, $0x38;
	[tilespmem:$0x1F700] =	vst v63  }
0xc2: {  	_ =	swait.ge [sflag:s19], $0x1400  }
0xc3: {  	[sflag:s19] =	ssyncset.done $0x0  }
0xc4: {  	s4 =	simm.s32 $0x9;
	[sflag:s19] =	ssyncadd.s32 $0xFFFFEC00  }
0xc5: {  	_ =	swait.ge [sflag:s4], $0x28  }
0xc6: {  	[sflag:s4] =	ssyncset.done $0x0  }
0xc7: {  	s13 =	simm.s32 $0x16800;
	s6 =	simm.s32 $0x17F00;
	[sflag:s4] =	ssyncadd.s32 $0xFFFFFFD8  }
0xc8: {  	[spmem:s3] =	stream.indirect.scatter.add.f32 [tilespmem:s6], [sflag:$0xF], $0x80, s13, s25, $0xb8;
	[tilespmem:$0x1F700] =	vst v63  }
0xc9: {  	_ =	swait.ge [sflag:s23], $0x1400  }
0xca: {  	[sflag:s23] =	ssyncset.done $0x0  }
0xcb: {  	s15 =	sadd.s32 $0xFFFFFF88, s30;
	s16 =	rddreg [dreg:$0x8];
	[sflag:s23] =	ssyncadd.s32 $0xFFFFEC00  }
0xcc: {  	[tilespmem:s6], [sflag:$0x2] =	stream.indirect.gather [hbm4b:s1+s25], $0x80, s15, s25, $0xb8;
	[tilespmem:$0x1F700] =	vst v63  }
0xcd: {  	s18 =	simm.s32 $0x3;
	s17 =	sadd.s32 s0, s16  }
0xce: {  	[tilespmem:s13], [sflag:$0x9] =	stream.linear.gather [hbm4b:s17+s5], $0x28, $0x38;
	[tilespmem:$0x1F700] =	vst v63  }
0xcf: {  	_ =	swait.ge [sflag:s18], $0x1400  }
0xd0: {  	[sflag:s18] =	ssyncset.done $0x0  }
0xd1: {  	s19 =	simm.s32 $0xA;
	[sflag:s18] =	ssyncadd.s32 $0xFFFFEC00  }
0xd2: {  	_ =	swait.ge [sflag:s19], $0x28  }
0xd3: {  	[sflag:s19] =	ssyncset.done $0x0  }
0xd4: {  	s4 =	simm.s32 $0x19300;
	s15 =	simm.s32 $0x16880;
	[sflag:s19] =	ssyncadd.s32 $0xFFFFFFD8  }
0xd5: {  	[spmem:s3] =	stream.indirect.scatter.add.f32 [tilespmem:s4], [sflag:$0xF], $0x80, s15, s25, $0xb8;
	[tilespmem:$0x1F700] =	vst v63  }
0xd6: {  	_ =	swait.ge [sflag:s23], $0x1400  }
0xd7: {  	[sflag:s23] =	ssyncset.done $0x0  }
0xd8: {  	s6 =	sadd.s32 $0xFFFFFFB0, s30;
	s17 =	rddreg [dreg:$0x7];
	[sflag:s23] =	ssyncadd.s32 $0xFFFFEC00  }
0xd9: {  	[tilespmem:s4], [sflag:$0x3] =	stream.indirect.gather [hbm4b:s1+s25], $0x80, s6, s25, $0xb8;
	[tilespmem:$0x1F700] =	vst v63  }
0xda: {  	s19 =	simm.s32 $0x4;
	s18 =	sadd.s32 s0, s17  }
0xdb: {  	[tilespmem:s15], [sflag:$0xA] =	stream.linear.gather [hbm4b:s18+s5], $0x28, $0x38;
	[tilespmem:$0x1F700] =	vst v63  }
0xdc: {  	_ =	swait.ge [sflag:s19], $0x1400  }
0xdd: {  	[sflag:s19] =	ssyncset.done $0x0  }
0xde: {  	s4 =	simm.s32 $0xB;
	[sflag:s19] =	ssyncadd.s32 $0xFFFFEC00  }
0xdf: {  	_ =	swait.ge [sflag:s4], $0x28  }
0xe0: {  	[sflag:s4] =	ssyncset.done $0x0  }
0xe1: {  	s17 =	simm.s32 $0x16900;
	s6 =	simm.s32 $0x1A700;
	[sflag:s4] =	ssyncadd.s32 $0xFFFFFFD8  }
0xe2: {  	[spmem:s3] =	stream.indirect.scatter.add.f32 [tilespmem:s6], [sflag:$0xF], $0x80, s17, s25, $0xb8;
	[tilespmem:$0x1F700] =	vst v63  }
0xe3: {  	_ =	swait.ge [sflag:s23], $0x1400  }
0xe4: {  	[sflag:s23] =	ssyncset.done $0x0  }
0xe5: {  	s19 =	sadd.s32 $0xFFFFFFD8, s30;
	s2 =	rddreg [dreg:$0x6];
	[sflag:s23] =	ssyncadd.s32 $0xFFFFEC00  }
0xe6: {  	[tilespmem:s6], [sflag:$0x4] =	stream.indirect.gather [hbm4b:s1+s25], $0x80, s19, s25, $0xb8;
	[tilespmem:$0x1F700] =	vst v63  }
0xe7: {  	s6 =	sadd.s32 s0, s2  }
0xe8: {  	[tilespmem:s17], [sflag:$0xB] =	stream.linear.gather [hbm4b:s6+s5], $0x28, $0x38;
	[tilespmem:$0x1F700] =	vst v63  }
0xe9: {  	s17 =	simm.s32 $0x5  }
0xea: {  	_ =	swait.ge [sflag:s17], $0x1400  }
0xeb: {  	[sflag:s17] =	ssyncset.done $0x0  }
0xec: {  	s19 =	simm.s32 $0xC;
	[sflag:s17] =	ssyncadd.s32 $0xFFFFEC00  }
0xed: {  	_ =	swait.ge [sflag:s19], $0x28  }
0xee: {  	[sflag:s19] =	ssyncset.done $0x0  }
0xef: {  	s4 =	simm.s32 $0x1BB00;
	s6 =	simm.s32 $0x16980;
	[sflag:s19] =	ssyncadd.s32 $0xFFFFFFD8  }
0xf0: {  	[spmem:s3] =	stream.indirect.scatter.add.f32 [tilespmem:s4], [sflag:$0xF], $0x80, s6, s25, $0xb8;
	[tilespmem:$0x1F700] =	vst v63  }
0xf1: {  	_ =	swait.ge [sflag:s23], $0x1400  }
0xf2: {  	[sflag:s23] =	ssyncset.done $0x0  }
0xf3: {  	s2 =	rddreg [dreg:$0x5];
	[sflag:s23] =	ssyncadd.s32 $0xFFFFEC00  }
0xf4: {  	[tilespmem:s4], [sflag:$0x5] =	stream.indirect.gather [hbm4b:s1+s25], $0x80, s30, s25, $0xb8;
	[tilespmem:$0x1F700] =	vst v63  }
0xf5: {  	s0 =	sadd.s32 s0, s2;
	s4 =	simm.s32 $0x6  }
0xf6: {  	[tilespmem:s6], [sflag:$0xC] =	stream.linear.gather [hbm4b:s0+s5], $0x28, $0x38;
	[tilespmem:$0x1F700] =	vst v63  }
0xf7: {  	_ =	swait.ge [sflag:s4], $0x1400  }
0xf8: {  	[sflag:s4] =	ssyncset.done $0x0  }
0xf9: {  	[sflag:s4] =	ssyncadd.s32 $0xFFFFEC00  }
0xfa: {  	s29 =	sadd.s32 $0x7, s29;
	_ =	swait.ge [sflag:s24], $0x28  }
0xfb: {  	s6 =	smin.u32 s29, $0xED;
	[sflag:s24] =	ssyncset.done $0x0  }
0xfc: {  	p1 =	sne.s32 s31, $0x4A6;
	s0 =	smul.u32 $0x28, s6;
	[sflag:s24] =	ssyncadd.s32 $0xFFFFFFD8  }
0xfd: {  	[spmem:s3] =	stream.indirect.scatter.add.f32 [tilespmem:s20], [sflag:$0xF], $0x80, s22, s25, $0xb8;
	[tilespmem:$0x1F700] =	vst v63  }
0xfe: {  	s31 =	sadd.s32 $0x23, s31;
	s2 =	sadd.s32 s11, s0;
	_ =	swait.ge [sflag:s23], $0x1400  }
0xff: {  	s12 =	simm.s32 $0x16B00;
	s4 =	sshrl.u32 s2, $0x3;
	[sflag:s23] =	ssyncset.done $0x0  }
0x100: {  	s0 =	sadd.s32 $0x141E0, s0;
	s6 =	sadd.s32 s7, s4;
	[sflag:s23] =	ssyncadd.s32 $0xFFFFEC00  }
0x101: {  	[tilespmem:s20], [sflag:$0x6] =	stream.indirect.gather [hbm4b:s1+s25], $0x80, s0, s25, $0xb8;
	[tilespmem:$0x1F700] =	vst v63  }
0x102: {  	s14 =	simm.s32 $0x17F00;
	s8 =	simm.s32 $0x16780;
	s0 =	sadd.s32 $0x3C, s6  }
0x103: {  	[tilespmem:s22], [sflag:$0xD] =	stream.linear.gather [hbm4b:s0+s5], $0x28, $0x38;
	[tilespmem:$0x1F700] =	vst v63  }
0x104: {  	s9 =	simm.s32 $0x16800;
	s16 =	simm.s32 $0x19300;
	_ =	swait.ge [sflag:s26], $0x1400  }
0x105: {  	s13 =	simm.s32 $0x16880;
	s18 =	simm.s32 $0x1A700;
	[sflag:s26] =	ssyncset.done $0x0  }
0x106: {  	s15 =	simm.s32 $0x16900;
	s7 =	smin.u32 s29, $0xEC;
	[sflag:s26] =	ssyncadd.s32 $0xFFFFEC00  }
0x107: {  	s17 =	simm.s32 $0x16980;
	s0 =	smul.u32 $0x28, s7;
	_ =	swait.ge [sflag:s28], $0x28  }
.Ltmp0:
0x108: {  	s19 =	simm.s32 $0x1BB00;
	[sflag:s28] =	ssyncset.done $0x0;
	(pc) =	sbr.rel @p1 .LBB2_2-.Ltmp0, $4  }
0x109: {  	s2 =	simm.s32 $0x1E300;
	s6 =	sadd.s32 s11, s0;
	[sflag:s28] =	ssyncadd.s32 $0xFFFFFFD8  }
0x10a: {  	[spmem:s3] =	stream.indirect.scatter.add.f32 [tilespmem:s10], [sflag:$0xF], $0x80, s21, s25, $0xb8;
	[tilespmem:$0x1F700] =	vst v63  }
0x10b: {  	s7 =	simm.s32 $0x16A80;
	s10 =	sadd.s32 $0x208, s6;
	_ =	swait.ge [sflag:s23], $0x1400  }
0x10c: {  	s4 =	sadd.s32 $0x14208, s0;
	s6 =	sshrl.u32 s10, $0x3;
	[sflag:s23] =	ssyncset.done $0x0  }
0x10d: {  	[sflag:s23] =	ssyncadd.s32 $0xFFFFEC00  }
0x10e: {  	[tilespmem:s2], [sflag:$0x7] =	stream.indirect.gather [hbm4b:s1+s25], $0x80, s4, s25, $0xb8;
	[tilespmem:$0x1F700] =	vst v63  }
0x10f: {  	s0 =	rddreg [dreg:$0x1]  }
0x110: {  	s4 =	simm.s32 $0x1;
	s0 =	sadd.s32 s0, s6  }
0x111: {  	[tilespmem:s7], [sflag:$0xE] =	stream.linear.gather [hbm4b:s0+s5], $0x28, $0x38;
	[tilespmem:$0x1F700] =	vst v63  }
0x112: {  	_ =	swait.ge [sflag:s4], $0x1400  }
0x113: {  	[sflag:s4] =	ssyncset.done $0x0  }
0x114: {  	s6 =	simm.s32 $0x8;
	[sflag:s4] =	ssyncadd.s32 $0xFFFFEC00  }
0x115: {  	_ =	swait.ge [sflag:s6], $0x28  }
0x116: {  	[sflag:s6] =	ssyncset.done $0x0  }
0x117: {  	[sflag:s6] =	ssyncadd.s32 $0xFFFFFFD8  }
0x118: {  	[spmem:s3] =	stream.indirect.scatter.add.f32 [tilespmem:s12], [sflag:$0xF], $0x80, s8, s25, $0xb8;
	[tilespmem:$0x1F700] =	vst v63  }
0x119: {  	_ =	swait.ge [sflag:s23], $0x1400  }
0x11a: {  	[sflag:s23] =	ssyncset.done $0x0  }
0x11b: {  	s7 =	simm.s32 $0x2;
	[sflag:s23] =	ssyncadd.s32 $0xFFFFEC00  }
0x11c: {  	_ =	swait.ge [sflag:s7], $0x1400  }
0x11d: {  	[sflag:s7] =	ssyncset.done $0x0  }
0x11e: {  	s8 =	simm.s32 $0x9;
	[sflag:s7] =	ssyncadd.s32 $0xFFFFEC00  }
0x11f: {  	_ =	swait.ge [sflag:s8], $0x28  }
0x120: {  	[sflag:s8] =	ssyncset.done $0x0  }
0x121: {  	[sflag:s8] =	ssyncadd.s32 $0xFFFFFFD8  }
0x122: {  	[spmem:s3] =	stream.indirect.scatter.add.f32 [tilespmem:s14], [sflag:$0xF], $0x80, s9, s25, $0xb8;
	[tilespmem:$0x1F700] =	vst v63  }
0x123: {  	_ =	swait.ge [sflag:s23], $0x1400  }
0x124: {  	[sflag:s23] =	ssyncset.done $0x0  }
0x125: {  	s10 =	simm.s32 $0x3;
	[sflag:s23] =	ssyncadd.s32 $0xFFFFEC00  }
0x126: {  	_ =	swait.ge [sflag:s10], $0x1400  }
0x127: {  	[sflag:s10] =	ssyncset.done $0x0  }
0x128: {  	s12 =	simm.s32 $0xA;
	[sflag:s10] =	ssyncadd.s32 $0xFFFFEC00  }
0x129: {  	_ =	swait.ge [sflag:s12], $0x28  }
0x12a: {  	[sflag:s12] =	ssyncset.done $0x0  }
0x12b: {  	[sflag:s12] =	ssyncadd.s32 $0xFFFFFFD8  }
0x12c: {  	[spmem:s3] =	stream.indirect.scatter.add.f32 [tilespmem:s16], [sflag:$0xF], $0x80, s13, s25, $0xb8;
	[tilespmem:$0x1F700] =	vst v63  }
0x12d: {  	_ =	swait.ge [sflag:s23], $0x1400  }
0x12e: {  	[sflag:s23] =	ssyncset.done $0x0  }
0x12f: {  	s14 =	simm.s32 $0x4;
	[sflag:s23] =	ssyncadd.s32 $0xFFFFEC00  }
0x130: {  	_ =	swait.ge [sflag:s14], $0x1400  }
0x131: {  	[sflag:s14] =	ssyncset.done $0x0  }
0x132: {  	s16 =	simm.s32 $0xB;
	[sflag:s14] =	ssyncadd.s32 $0xFFFFEC00  }
0x133: {  	_ =	swait.ge [sflag:s16], $0x28  }
0x134: {  	[sflag:s16] =	ssyncset.done $0x0  }
0x135: {  	[sflag:s16] =	ssyncadd.s32 $0xFFFFFFD8  }
0x136: {  	[spmem:s3] =	stream.indirect.scatter.add.f32 [tilespmem:s18], [sflag:$0xF], $0x80, s15, s25, $0xb8;
	[tilespmem:$0x1F700] =	vst v63  }
0x137: {  	_ =	swait.ge [sflag:s23], $0x1400  }
0x138: {  	[sflag:s23] =	ssyncset.done $0x0  }
0x139: {  	s18 =	simm.s32 $0x5;
	[sflag:s23] =	ssyncadd.s32 $0xFFFFEC00  }
0x13a: {  	_ =	swait.ge [sflag:s18], $0x1400  }
0x13b: {  	[sflag:s18] =	ssyncset.done $0x0  }
0x13c: {  	s20 =	simm.s32 $0xC;
	[sflag:s18] =	ssyncadd.s32 $0xFFFFEC00  }
0x13d: {  	_ =	swait.ge [sflag:s20], $0x28  }
0x13e: {  	[sflag:s20] =	ssyncset.done $0x0  }
0x13f: {  	[sflag:s20] =	ssyncadd.s32 $0xFFFFFFD8  }
0x140: {  	[spmem:s3] =	stream.indirect.scatter.add.f32 [tilespmem:s19], [sflag:$0xF], $0x80, s17, s25, $0xb8;
	[tilespmem:$0x1F700] =	vst v63  }
0x141: {  	_ =	swait.ge [sflag:s23], $0x1400  }
0x142: {  	[sflag:s23] =	ssyncset.done $0x0  }
0x143: {  	s29 =	simm.s32 $0x6;
	[sflag:s23] =	ssyncadd.s32 $0xFFFFEC00  }
0x144: {  	_ =	swait.ge [sflag:s29], $0x1400  }
0x145: {  	[sflag:s29] =	ssyncset.done $0x0  }
0x146: {  	[sflag:s29] =	ssyncadd.s32 $0xFFFFEC00  }
0x147: {  	_ =	swait.ge [sflag:s24], $0x28  }
0x148: {  	[sflag:s24] =	ssyncset.done $0x0  }
0x149: {  	[sflag:s24] =	ssyncadd.s32 $0xFFFFFFD8  }
0x14a: {  	_ =	swait.ge [sflag:s26], $0x1400  }
0x14b: {  	[sflag:s26] =	ssyncset.done $0x0  }
0x14c: {  	[sflag:s26] =	ssyncadd.s32 $0xFFFFEC00  }
0x14d: {  	_ =	swait.ge [sflag:s28], $0x28  }
0x14e: {  	[sflag:s28] =	ssyncset.done $0x0  }
0x14f: {  	[sflag:s28] =	ssyncadd.s32 $0xFFFFFFD8  }
0x150: {  	[bflag:$0x0] =	sbarrier.arrive $0xFFFF  }
0x151: {  	s4 =	rddreg [dreg:$0x17]  }
0x152: {  	s0 =	simm.s32 @p0 $0x1FCF;
	s2 =	rddreg [dreg:$0x1a]  }
0x153: {  	[hbm:s4], [sflag:s0] =	dma.local @p0 [spmem:s2], $0x1900  }
0x154: {  	s0 =	simm.s32 @p0 $0xF  }
0x155: {  	_ =	swait.ge @p0 [sflag:s0], $0x1900  }
0x156: {  	s2 =	rddreg [dreg:$0x1b]  }
0x157: {  	[sflag:s0] =	ssyncset.done @p0 $0x0;
	s4 =	rddreg [dreg:$0x1c]  }
0x158: {  	[sflag:s0] =	ssyncadd.s32 @p0 $0xFFFFE700;
	s0 =	rddreg [dreg:$0x16]  }
0x159: {  	[hbm:s0], [sflag:s2] =	dma.local @!p0 [spmem:s4], $0x2800  }
0x15a: {  	s0 =	simm.s32 @!p0 $0xF  }
0x15b: {  	_ =	swait.ge @!p0 [sflag:s0], $0x2800  }
0x15c: {  	s30 =	rddreg [dreg:$0x19]  }
0x15d: {  	s31 =	rddreg [dreg:$0x18];
	s2 =	sadd.s32 $0x1, s30  }
0x15e: {  	p1 =	sne.s32 s2, s31  }
.Ltmp1:
0x15f: {  	_ = 	snop;
	(pc) =	sbr.rel @p1 .LBB2_1-.Ltmp1, $3  }
0x160: {  	_ =	sdelay $0x1  }
0x161: {  	[sflag:s0] =	ssyncset.done @!p0 $0x0  }
0x162: {  	s18 =	simm.s32 $0x16A00;
	s19 =	simm.s32 $0x1CF00;
	[sflag:s0] =	ssyncadd.s32 @!p0 $0xFFFFD800  }
0x163: {  	_ =	sfence.sel $0x180000  }
0x164: {  	[bflag:$0x0] =	sbarrier.arrive $0xFFFF  }
0x165: {  	_ =	strace $0x90000047  }
0x166: {  	s0 =	stileid.u32;
	[bflag:$0x2] =	sbarrier.arrive $0xFFFF  }
0x167: {  	p0 =	sne.s32 s0, $0x0;
	s0 =	rddreg [dreg:$0x4]  }
0x168: {  	s0 =	sadd.s32 @!p0 $0x100000, s0  }
0x169: {  	[sflag:s0] =	ssyncadd.tile.s32 @!p0 $0x1;
	_ =	shalt  }
.Lfunc_end2:
_tile_overlayer_lowered:
.L_overlay_start_2:
0x16a: {  	(tag) =	ssettag $0x2  }
0x16b: {  	s0 =	rddreg [dreg:$0x0];
	s2 =	stileid.u32  }
0x16c: {  	s1 =	rddreg [dreg:$0x1];
	p0 =	sne.s32 s2, $0x0  }
0x16d: {  	s3 =	rddreg [dreg:$0x2];
	[bflag:$0x3] =	sbarrier.arrive $0xFFFF;
	s2 =	simm.s32 @!p0 $0x1C0F  }
0x16e: {  	[timem:s3], [sflag:s2] =	dma.local @!p0 [hbm:s0], s1  }
0x16f: {  	s0 =	simm.s32 @!p0 $0xF  }
0x170: {  	_ =	swait.ge @!p0 [sflag:s0], s1  }
0x171: {  	s1 =	ssub.s32 @!p0 $0x0, s1;
	[sflag:s0] =	ssyncset.done @!p0 $0x0  }
0x172: {  	[sflag:s0] =	ssyncadd.s32 @!p0 s1  }
0x173: {  	[bflag:$0x3] =	sbarrier.arrive $0xFFFF  }
0x174: {  	_ =	shalt  }

</sc_bundles>
